<compile_context>
chip_gen: v7x
topology: tpu7x:2x2x1
jax: 0.10.2.dev20260603
libtpu: 0.0.44.dev20260713+nightly
codegen_flags: <defaults>
</compile_context>

<pallas_src>
import functools

import jax
import jax.numpy as jnp
from jax import lax
from jax.experimental import pallas as pl
from jax.experimental.pallas import tpu as pltpu
from jax.experimental.pallas import tpu_sc as plsc

N_NODES = 10000
D = 128
NC = 2
NS = 16
NW = NC * NS
W_EDGES = 40
DEG_W = 16
NBUF = 5
CHUNK = 125


def _sc_aggregate(x, ei3):
    n_win_total = ei3.shape[1]
    assert n_win_total % NW == 0
    n_win = n_win_total // NW
    assert n_win % CHUNK == 0
    n_chunk = n_win // CHUNK
    rows_per_sub = N_NODES // NS
    mesh = plsc.VectorSubcoreMesh(core_axis_name="c", subcore_axis_name="s")

    @functools.partial(
        pl.kernel,
        out_type=(
            jax.ShapeDtypeStruct((NC, N_NODES, D), jnp.float32),
            jax.ShapeDtypeStruct((NC, N_NODES, DEG_W), jnp.float32),
        ),
        mesh=mesh,
        scratch_types=[
            pltpu.VMEM_SHARED((N_NODES, D), jnp.float32),
            pltpu.VMEM_SHARED((N_NODES, DEG_W), jnp.float32),
            pltpu.VMEM((CHUNK, W_EDGES), jnp.int32),
            pltpu.VMEM((CHUNK, W_EDGES), jnp.int32),
            pltpu.VMEM((NBUF, W_EDGES, D), jnp.float32),
            pltpu.VMEM((W_EDGES, DEG_W), jnp.float32),
            pltpu.VMEM((125, DEG_W), jnp.float32),
            pltpu.SemaphoreType.DMA((NBUF,)),
            pltpu.SemaphoreType.DMA((NBUF,)),
            pltpu.SemaphoreType.DMA((NBUF,)),
        ],
        compiler_params=pltpu.CompilerParams(use_tc_tiling_on_sc=False),
    )
    def agg(x_hbm, ei_hbm, acc_out, deg_out,
            acc_sh, deg_sh, srcb, dstb, rows, ones, z16,
            sem_g, sem_s, sem_d):
        cid = lax.axis_index("c")
        sid = lax.axis_index("s")
        wid = cid * NS + sid
        zf = jnp.zeros((16,), jnp.float32)
        of = jnp.ones((16,), jnp.float32)

        for b in range(NBUF):
            @pl.loop(0, W_EDGES)
            def _(i):
                @pl.loop(0, D // 16)
                def _(j):
                    rows[b, i, pl.ds(j * 16, 16)] = zf

        @pl.loop(0, 125)
        def _(i):
            z16[i, :] = zf

        @pl.loop(0, W_EDGES)
        def _(i):
            ones[i, :] = of

        r0 = sid * rows_per_sub

        @pl.loop(0, rows_per_sub // W_EDGES)
        def _(j):
            pltpu.sync_copy(rows.at[0],
                            acc_sh.at[pl.ds(r0 + j * W_EDGES, W_EDGES)])

        tail = rows_per_sub % W_EDGES
        if tail:
            pltpu.sync_copy(
                rows.at[0, pl.ds(0, tail)],
                acc_sh.at[pl.ds(r0 + rows_per_sub - tail, tail)])

        @pl.loop(0, rows_per_sub // 125)
        def _(j):
            pltpu.sync_copy(z16, deg_sh.at[pl.ds(r0 + j * 125, 125)])

        plsc.subcore_barrier()

        base = wid * n_win

        @pl.loop(0, n_chunk)
        def _(c):
            pltpu.sync_copy(ei_hbm.at[0, pl.ds(base + c * CHUNK, CHUNK)], srcb)
            pltpu.sync_copy(ei_hbm.at[1, pl.ds(base + c * CHUNK, CHUNK)], dstb)

            for b in range(NBUF):
                pltpu.async_copy(x_hbm.at[srcb.at[b]], rows.at[b],
                                 sem_g.at[b])

            @pl.loop(0, CHUNK, step=NBUF)
            def _(o):
                for b in range(NBUF):
                    w = o + b
                    pltpu.make_async_copy(
                        x_hbm.at[srcb.at[b]], rows.at[b], sem_g.at[b]).wait()
                    pltpu.async_copy(
                        rows.at[b], acc_sh.at[dstb.at[w]], sem_s.at[b],
                        add=True)

                    @pl.when((c > 0) | (o > 0))
                    def _():
                        pltpu.make_async_copy(
                            ones, deg_sh.at[dstb.at[w]], sem_d.at[b]).wait()

                    pltpu.async_copy(
                        ones, deg_sh.at[dstb.at[w]], sem_d.at[b], add=True)
                    pltpu.make_async_copy(
                        rows.at[b], acc_sh.at[dstb.at[w]], sem_s.at[b]).wait()

                    @pl.when(w + NBUF < CHUNK)
                    def _():
                        pltpu.async_copy(
                            x_hbm.at[srcb.at[w + NBUF]], rows.at[b],
                            sem_g.at[b])

        for b in range(NBUF):
            pltpu.make_async_copy(ones, deg_sh.at[dstb.at[b]],
                                  sem_d.at[b]).wait()

        plsc.subcore_barrier()
        pltpu.sync_copy(acc_sh.at[pl.ds(r0, rows_per_sub)],
                        acc_out.at[cid, pl.ds(r0, rows_per_sub)])
        pltpu.sync_copy(deg_sh.at[pl.ds(r0, rows_per_sub)],
                        deg_out.at[cid, pl.ds(r0, rows_per_sub)])

    return agg(x, ei3)


def _tc_self(x, w_self, b2d):
    B = 2000
    grid = (N_NODES // B,)

    def body(x_ref, ws_ref, b_ref, o_ref):
        o_ref[...] = jnp.dot(x_ref[...], ws_ref[...],
                             preferred_element_type=jnp.float32) + b_ref[...]

    return pl.pallas_call(
        body,
        grid=grid,
        in_specs=[
            pl.BlockSpec((B, D), lambda i: (i, 0)),
            pl.BlockSpec((D, D), lambda i: (0, 0)),
            pl.BlockSpec((1, D), lambda i: (0, 0)),
        ],
        out_specs=pl.BlockSpec((B, D), lambda i: (i, 0)),
        out_shape=jax.ShapeDtypeStruct((N_NODES, D), jnp.float32),
    )(x, w_self, b2d)


def _tc_neigh(pre, acc, deg, w_neigh):
    B = 2000
    grid = (N_NODES // B,)

    def body(pre_ref, acc_ref, deg_ref, wn_ref, o_ref):
        h = acc_ref[0] + acc_ref[1]
        dg = deg_ref[0, :, 0:1] + deg_ref[1, :, 0:1]
        h = h / jnp.maximum(dg, 1.0)
        o_ref[...] = pre_ref[...] + jnp.dot(
            h, wn_ref[...], preferred_element_type=jnp.float32)

    return pl.pallas_call(
        body,
        grid=grid,
        in_specs=[
            pl.BlockSpec((B, D), lambda i: (i, 0)),
            pl.BlockSpec((NC, B, D), lambda i: (0, i, 0)),
            pl.BlockSpec((NC, B, DEG_W), lambda i: (0, i, 0)),
            pl.BlockSpec((D, D), lambda i: (0, 0)),
        ],
        out_specs=pl.BlockSpec((B, D), lambda i: (i, 0)),
        out_shape=jax.ShapeDtypeStruct((N_NODES, D), jnp.float32),
    )(pre, acc, deg, w_neigh)


def kernel(x, edge_index, W_self, W_neigh, b):
    ei3 = edge_index.astype(jnp.int32).reshape(2, -1, W_EDGES)
    acc, deg = _sc_aggregate(x, ei3)
    pre = _tc_self(x, W_self, b.reshape(1, D))
    return _tc_neigh(pre, acc, deg, W_neigh)

# --- scband reference (transcript-rebuilt; emitter-appended) ---
"""Pipeline reference for scband-graph-sageconv-layer-48258252538106 (READ-ONLY COPY).

The authoritative reference and input builder live on the scoring server;
editing this copy changes nothing except your own understanding.
"""

import jax, jax.numpy as jnp
import numpy as np

N_NODES = 10000
N_EDGES = 320000
D_IN = 128
D_OUT = 128


def setup_inputs(seed: int = 0) -> dict:
    key = jax.random.key(seed)
    k1, k2, k3, k4, k5 = jax.random.split(key, 5)
    x = jax.random.normal(k1, (N_NODES, D_IN), dtype=jnp.float32)
    edge_index = jax.random.randint(k2, (2, N_EDGES), 0, N_NODES, dtype=jnp.int64)
    # DGL SAGEConv('mean') params: fc_self (no bias), fc_neigh (no bias), plus bias
    lim_self = 1.0 / np.sqrt(D_IN)
    W_self = jax.random.uniform(k3, (D_IN, D_OUT), dtype=jnp.float32, minval=-lim_self, maxval=lim_self)
    W_neigh = jax.random.uniform(k4, (D_IN, D_OUT), dtype=jnp.float32, minval=-lim_self, maxval=lim_self)
    b = jnp.zeros((D_OUT,), dtype=jnp.float32)
    return {"x": x, "edge_index": edge_index, "W_self": W_self, "W_neigh": W_neigh, "b": b}


def reference(x, edge_index, W_self, W_neigh, b):
    # GraphSAGE mean aggregation (DGL SAGEConv, aggregator_type='mean'):
    #   h_neigh[v] = mean_{u in N_in(v)} x[u]
    #   out[v]     = x[v] @ W_self + h_neigh[v] @ W_neigh + b
    src = edge_index[0]
    dst = edge_index[1]
    msgs = jnp.take(x, src, axis=0)                                  # gather  [E, D_IN]
    summed = jax.ops.segment_sum(msgs, dst, num_segments=N_NODES)    # scatter-add [N, D_IN]
    deg = jax.ops.segment_sum(jnp.ones((src.shape[0],), dtype=x.dtype), dst, num_segments=N_NODES)
    deg = jnp.maximum(deg, 1.0)                                      # zero in-degree -> h_neigh = 0
    h_neigh = summed / deg[:, None]
    out = x @ W_self + h_neigh @ W_neigh + b
    return out

if __name__ == "__main__":
    import jax
    _d = setup_inputs()
    print(jax.jit(kernel)(*tuple(_d.values())))

</pallas_src>

<mosaic_0001>
#map = affine_map<(d0, d1) -> (0, 0)>
#map1 = affine_map<(d0, d1) -> (0, 0, 0)>
module attributes {stable_mosaic.version = 14 : i64} {
  func.func @agg(%arg0: i32, %arg1: i32, %arg2: memref<10000x128xf32, #tpu.memory_space<hbm>>, %arg3: memref<2x8000x40xi32, #tpu.memory_space<hbm>>, %arg4: memref<2x10000x128xf32, #tpu.memory_space<hbm>>, %arg5: memref<2x10000x16xf32, #tpu.memory_space<hbm>>, %arg6: memref<10000x128xf32, #tpu.memory_space<vmem_shared>>, %arg7: memref<10000x16xf32, #tpu.memory_space<vmem_shared>>, %arg8: memref<125x40xi32, #tpu.memory_space<vmem>>, %arg9: memref<125x40xi32, #tpu.memory_space<vmem>>, %arg10: memref<5x40x128xf32, #tpu.memory_space<vmem>>, %arg11: memref<40x16xf32, #tpu.memory_space<vmem>>, %arg12: memref<125x16xf32, #tpu.memory_space<vmem>>, %arg13: memref<5x!tpu.dma_semaphore, #tpu.memory_space<semaphore_mem>>, %arg14: memref<5x!tpu.dma_semaphore, #tpu.memory_space<semaphore_mem>>, %arg15: memref<5x!tpu.dma_semaphore, #tpu.memory_space<semaphore_mem>>) attributes {dimension_semantics = [#tpu.dimension_semantics<core_parallel>, #tpu.dimension_semantics<subcore_parallel>], iteration_bounds = array<i64: 2, 16>, scalar_prefetch = 0 : i64, scratch_operands = 10 : i64, tpu.core_type = #tpu.core_type<sc_vector_subcore>, window_params = [{transform_indices = #map}, {transform_indices = #map1}, {transform_indices = #map1}, {transform_indices = #map1}]} {
    %mul3A = arith.constant 16 : i32
    %mul3A_0 = arith.muli %arg0, %mul3A : i32
    %add3A = arith.addi %mul3A_0, %arg1 : i32
    %broadcast_in_dim3A = arith.constant 0.000000e+00 : f32
    %broadcast_in_dim3A_1 = vector.broadcast %broadcast_in_dim3A : f32 to vector<16xf32>
    %broadcast_in_dim3A_2 = arith.constant 1.000000e+00 : f32
    %broadcast_in_dim3A_3 = vector.broadcast %broadcast_in_dim3A_2 : f32 to vector<16xf32>
    %scan3A = arith.constant 0 : i32
    %scan3A_4 = arith.constant 40 : i32
    %scan3A_5 = arith.addi %scan3A, %scan3A_4 : i32
    %scan3A_6 = arith.constant 1 : i32
    scf.for %scan3A_110 = %scan3A to %scan3A_5 step %scan3A_6  : i32 {
      %mul3A_111 = arith.constant 1 : i32
      %mul3A_112 = arith.muli %scan3A_110, %mul3A_111 : i32
      %add3A_113 = arith.constant 0 : i32
      %add3A_114 = arith.addi %add3A_113, %mul3A_112 : i32
      %scan3A_115 = arith.constant 0 : i32
      %scan3A_116 = arith.constant 8 : i32
      %scan3A_117 = arith.addi %scan3A_115, %scan3A_116 : i32
      %scan3A_118 = arith.constant 1 : i32
      scf.for %scan3A_120 = %scan3A_115 to %scan3A_117 step %scan3A_118  : i32 {
        %mul3A_121 = arith.constant 1 : i32
        %mul3A_122 = arith.muli %scan3A_120, %mul3A_121 : i32
        %add3A_123 = arith.constant 0 : i32
        %add3A_124 = arith.addi %add3A_123, %mul3A_122 : i32
        %mul3A_125 = arith.constant 16 : i32
        %mul3A_126 = arith.muli %add3A_124, %mul3A_125 : i32
        %swap3A = arith.constant 0 : i32
        %swap3A_127 = arith.index_cast %swap3A : i32 to index
        %swap3A_128 = arith.index_cast %add3A_114 : i32 to index
        %swap3A_129 = arith.index_cast %mul3A_126 : i32 to index
        %swap3A_130 = tpu.vector_load %arg10[%swap3A_127, %swap3A_128, %swap3A_129] {strides = array<i32>} : memref<5x40x128xf32, #tpu.memory_space<vmem>>, vector<1x1x16xf32>,
        %swap3A_131 = vector.shape_cast %swap3A_130 : vector<1x1x16xf32> to vector<16xf32>
        %swap3A_132 = vector.shape_cast %broadcast_in_dim3A_1 : vector<16xf32> to vector<1x1x16xf32>
        tpu.vector_store %arg10[%swap3A_127, %swap3A_128, %swap3A_129], %swap3A_132 {strides = array<i32>} : memref<5x40x128xf32, #tpu.memory_space<vmem>>, vector<1x1x16xf32>,
      }
      %scan3A_119 = arith.constant 8 : i32
    }
    %scan3A_7 = arith.constant 40 : i32
    %scan3A_8 = arith.constant 0 : i32
    %scan3A_9 = arith.constant 40 : i32
    %scan3A_10 = arith.addi %scan3A_8, %scan3A_9 : i32
    %scan3A_11 = arith.constant 1 : i32
    scf.for %scan3A_110 = %scan3A_8 to %scan3A_10 step %scan3A_11  : i32 {
      %mul3A_111 = arith.constant 1 : i32
      %mul3A_112 = arith.muli %scan3A_110, %mul3A_111 : i32
      %add3A_113 = arith.constant 0 : i32
      %add3A_114 = arith.addi %add3A_113, %mul3A_112 : i32
      %scan3A_115 = arith.constant 0 : i32
      %scan3A_116 = arith.constant 8 : i32
      %scan3A_117 = arith.addi %scan3A_115, %scan3A_116 : i32
      %scan3A_118 = arith.constant 1 : i32
      scf.for %scan3A_120 = %scan3A_115 to %scan3A_117 step %scan3A_118  : i32 {
        %mul3A_121 = arith.constant 1 : i32
        %mul3A_122 = arith.muli %scan3A_120, %mul3A_121 : i32
        %add3A_123 = arith.constant 0 : i32
        %add3A_124 = arith.addi %add3A_123, %mul3A_122 : i32
        %mul3A_125 = arith.constant 16 : i32
        %mul3A_126 = arith.muli %add3A_124, %mul3A_125 : i32
        %swap3A = arith.constant 1 : i32
        %swap3A_127 = arith.index_cast %swap3A : i32 to index
        %swap3A_128 = arith.index_cast %add3A_114 : i32 to index
        %swap3A_129 = arith.index_cast %mul3A_126 : i32 to index
        %swap3A_130 = tpu.vector_load %arg10[%swap3A_127, %swap3A_128, %swap3A_129] {strides = array<i32>} : memref<5x40x128xf32, #tpu.memory_space<vmem>>, vector<1x1x16xf32>,
        %swap3A_131 = vector.shape_cast %swap3A_130 : vector<1x1x16xf32> to vector<16xf32>
        %swap3A_132 = vector.shape_cast %broadcast_in_dim3A_1 : vector<16xf32> to vector<1x1x16xf32>
        tpu.vector_store %arg10[%swap3A_127, %swap3A_128, %swap3A_129], %swap3A_132 {strides = array<i32>} : memref<5x40x128xf32, #tpu.memory_space<vmem>>, vector<1x1x16xf32>,
      }
      %scan3A_119 = arith.constant 8 : i32
    }
    %scan3A_12 = arith.constant 40 : i32
    %scan3A_13 = arith.constant 0 : i32
    %scan3A_14 = arith.constant 40 : i32
    %scan3A_15 = arith.addi %scan3A_13, %scan3A_14 : i32
    %scan3A_16 = arith.constant 1 : i32
    scf.for %scan3A_110 = %scan3A_13 to %scan3A_15 step %scan3A_16  : i32 {
      %mul3A_111 = arith.constant 1 : i32
      %mul3A_112 = arith.muli %scan3A_110, %mul3A_111 : i32
      %add3A_113 = arith.constant 0 : i32
      %add3A_114 = arith.addi %add3A_113, %mul3A_112 : i32
      %scan3A_115 = arith.constant 0 : i32
      %scan3A_116 = arith.constant 8 : i32
      %scan3A_117 = arith.addi %scan3A_115, %scan3A_116 : i32
      %scan3A_118 = arith.constant 1 : i32
      scf.for %scan3A_120 = %scan3A_115 to %scan3A_117 step %scan3A_118  : i32 {
        %mul3A_121 = arith.constant 1 : i32
        %mul3A_122 = arith.muli %scan3A_120, %mul3A_121 : i32
        %add3A_123 = arith.constant 0 : i32
        %add3A_124 = arith.addi %add3A_123, %mul3A_122 : i32
        %mul3A_125 = arith.constant 16 : i32
        %mul3A_126 = arith.muli %add3A_124, %mul3A_125 : i32
        %swap3A = arith.constant 2 : i32
        %swap3A_127 = arith.index_cast %swap3A : i32 to index
        %swap3A_128 = arith.index_cast %add3A_114 : i32 to index
        %swap3A_129 = arith.index_cast %mul3A_126 : i32 to index
        %swap3A_130 = tpu.vector_load %arg10[%swap3A_127, %swap3A_128, %swap3A_129] {strides = array<i32>} : memref<5x40x128xf32, #tpu.memory_space<vmem>>, vector<1x1x16xf32>,
        %swap3A_131 = vector.shape_cast %swap3A_130 : vector<1x1x16xf32> to vector<16xf32>
        %swap3A_132 = vector.shape_cast %broadcast_in_dim3A_1 : vector<16xf32> to vector<1x1x16xf32>
        tpu.vector_store %arg10[%swap3A_127, %swap3A_128, %swap3A_129], %swap3A_132 {strides = array<i32>} : memref<5x40x128xf32, #tpu.memory_space<vmem>>, vector<1x1x16xf32>,
      }
      %scan3A_119 = arith.constant 8 : i32
    }
    %scan3A_17 = arith.constant 40 : i32
    %scan3A_18 = arith.constant 0 : i32
    %scan3A_19 = arith.constant 40 : i32
    %scan3A_20 = arith.addi %scan3A_18, %scan3A_19 : i32
    %scan3A_21 = arith.constant 1 : i32
    scf.for %scan3A_110 = %scan3A_18 to %scan3A_20 step %scan3A_21  : i32 {
      %mul3A_111 = arith.constant 1 : i32
      %mul3A_112 = arith.muli %scan3A_110, %mul3A_111 : i32
      %add3A_113 = arith.constant 0 : i32
      %add3A_114 = arith.addi %add3A_113, %mul3A_112 : i32
      %scan3A_115 = arith.constant 0 : i32
      %scan3A_116 = arith.constant 8 : i32
      %scan3A_117 = arith.addi %scan3A_115, %scan3A_116 : i32
      %scan3A_118 = arith.constant 1 : i32
      scf.for %scan3A_120 = %scan3A_115 to %scan3A_117 step %scan3A_118  : i32 {
        %mul3A_121 = arith.constant 1 : i32
        %mul3A_122 = arith.muli %scan3A_120, %mul3A_121 : i32
        %add3A_123 = arith.constant 0 : i32
        %add3A_124 = arith.addi %add3A_123, %mul3A_122 : i32
        %mul3A_125 = arith.constant 16 : i32
        %mul3A_126 = arith.muli %add3A_124, %mul3A_125 : i32
        %swap3A = arith.constant 3 : i32
        %swap3A_127 = arith.index_cast %swap3A : i32 to index
        %swap3A_128 = arith.index_cast %add3A_114 : i32 to index
        %swap3A_129 = arith.index_cast %mul3A_126 : i32 to index
        %swap3A_130 = tpu.vector_load %arg10[%swap3A_127, %swap3A_128, %swap3A_129] {strides = array<i32>} : memref<5x40x128xf32, #tpu.memory_space<vmem>>, vector<1x1x16xf32>,
        %swap3A_131 = vector.shape_cast %swap3A_130 : vector<1x1x16xf32> to vector<16xf32>
        %swap3A_132 = vector.shape_cast %broadcast_in_dim3A_1 : vector<16xf32> to vector<1x1x16xf32>
        tpu.vector_store %arg10[%swap3A_127, %swap3A_128, %swap3A_129], %swap3A_132 {strides = array<i32>} : memref<5x40x128xf32, #tpu.memory_space<vmem>>, vector<1x1x16xf32>,
      }
      %scan3A_119 = arith.constant 8 : i32
    }
    %scan3A_22 = arith.constant 40 : i32
    %scan3A_23 = arith.constant 0 : i32
    %scan3A_24 = arith.constant 40 : i32
    %scan3A_25 = arith.addi %scan3A_23, %scan3A_24 : i32
    %scan3A_26 = arith.constant 1 : i32
    scf.for %scan3A_110 = %scan3A_23 to %scan3A_25 step %scan3A_26  : i32 {
      %mul3A_111 = arith.constant 1 : i32
      %mul3A_112 = arith.muli %scan3A_110, %mul3A_111 : i32
      %add3A_113 = arith.constant 0 : i32
      %add3A_114 = arith.addi %add3A_113, %mul3A_112 : i32
      %scan3A_115 = arith.constant 0 : i32
      %scan3A_116 = arith.constant 8 : i32
      %scan3A_117 = arith.addi %scan3A_115, %scan3A_116 : i32
      %scan3A_118 = arith.constant 1 : i32
      scf.for %scan3A_120 = %scan3A_115 to %scan3A_117 step %scan3A_118  : i32 {
        %mul3A_121 = arith.constant 1 : i32
        %mul3A_122 = arith.muli %scan3A_120, %mul3A_121 : i32
        %add3A_123 = arith.constant 0 : i32
        %add3A_124 = arith.addi %add3A_123, %mul3A_122 : i32
        %mul3A_125 = arith.constant 16 : i32
        %mul3A_126 = arith.muli %add3A_124, %mul3A_125 : i32
        %swap3A = arith.constant 4 : i32
        %swap3A_127 = arith.index_cast %swap3A : i32 to index
        %swap3A_128 = arith.index_cast %add3A_114 : i32 to index
        %swap3A_129 = arith.index_cast %mul3A_126 : i32 to index
        %swap3A_130 = tpu.vector_load %arg10[%swap3A_127, %swap3A_128, %swap3A_129] {strides = array<i32>} : memref<5x40x128xf32, #tpu.memory_space<vmem>>, vector<1x1x16xf32>,
        %swap3A_131 = vector.shape_cast %swap3A_130 : vector<1x1x16xf32> to vector<16xf32>
        %swap3A_132 = vector.shape_cast %broadcast_in_dim3A_1 : vector<16xf32> to vector<1x1x16xf32>
        tpu.vector_store %arg10[%swap3A_127, %swap3A_128, %swap3A_129], %swap3A_132 {strides = array<i32>} : memref<5x40x128xf32, #tpu.memory_space<vmem>>, vector<1x1x16xf32>,
      }
      %scan3A_119 = arith.constant 8 : i32
    }
    %scan3A_27 = arith.constant 40 : i32
    %scan3A_28 = arith.constant 0 : i32
    %scan3A_29 = arith.constant 125 : i32
    %scan3A_30 = arith.addi %scan3A_28, %scan3A_29 : i32
    %scan3A_31 = arith.constant 1 : i32
    scf.for %scan3A_110 = %scan3A_28 to %scan3A_30 step %scan3A_31  : i32 {
      %mul3A_111 = arith.constant 1 : i32
      %mul3A_112 = arith.muli %scan3A_110, %mul3A_111 : i32
      %add3A_113 = arith.constant 0 : i32
      %add3A_114 = arith.addi %add3A_113, %mul3A_112 : i32
      %swap3A = arith.index_cast %add3A_114 : i32 to index
      %swap3A_115 = arith.constant 0 : index
      %swap3A_116 = tpu.vector_load %arg12[%swap3A, %swap3A_115] {strides = array<i32>} : memref<125x16xf32, #tpu.memory_space<vmem>>, vector<1x16xf32>,
      %swap3A_117 = vector.shape_cast %swap3A_116 : vector<1x16xf32> to vector<16xf32>
      %swap3A_118 = vector.shape_cast %broadcast_in_dim3A_1 : vector<16xf32> to vector<1x16xf32>
      tpu.vector_store %arg12[%swap3A, %swap3A_115], %swap3A_118 {strides = array<i32>} : memref<125x16xf32, #tpu.memory_space<vmem>>, vector<1x16xf32>,
    }
    %scan3A_32 = arith.constant 125 : i32
    %scan3A_33 = arith.constant 0 : i32
    %scan3A_34 = arith.constant 40 : i32
    %scan3A_35 = arith.addi %scan3A_33, %scan3A_34 : i32
    %scan3A_36 = arith.constant 1 : i32
    scf.for %scan3A_110 = %scan3A_33 to %scan3A_35 step %scan3A_36  : i32 {
      %mul3A_111 = arith.constant 1 : i32
      %mul3A_112 = arith.muli %scan3A_110, %mul3A_111 : i32
      %add3A_113 = arith.constant 0 : i32
      %add3A_114 = arith.addi %add3A_113, %mul3A_112 : i32
      %swap3A = arith.index_cast %add3A_114 : i32 to index
      %swap3A_115 = arith.constant 0 : index
      %swap3A_116 = tpu.vector_load %arg11[%swap3A, %swap3A_115] {strides = array<i32>} : memref<40x16xf32, #tpu.memory_space<vmem>>, vector<1x16xf32>,
      %swap3A_117 = vector.shape_cast %swap3A_116 : vector<1x16xf32> to vector<16xf32>
      %swap3A_118 = vector.shape_cast %broadcast_in_dim3A_3 : vector<16xf32> to vector<1x16xf32>
      tpu.vector_store %arg11[%swap3A, %swap3A_115], %swap3A_118 {strides = array<i32>} : memref<40x16xf32, #tpu.memory_space<vmem>>, vector<1x16xf32>,
    }
    %scan3A_37 = arith.constant 40 : i32
    %mul3A_38 = arith.constant 625 : i32
    %mul3A_39 = arith.muli %arg1, %mul3A_38 : i32
    %scan3A_40 = arith.constant 0 : i32
    %scan3A_41 = arith.constant 15 : i32
    %scan3A_42 = arith.addi %scan3A_40, %scan3A_41 : i32
    %scan3A_43 = arith.constant 1 : i32
    scf.for %scan3A_110 = %scan3A_40 to %scan3A_42 step %scan3A_43  : i32 {
      %mul3A_111 = arith.constant 1 : i32
      %mul3A_112 = arith.muli %scan3A_110, %mul3A_111 : i32
      %add3A_113 = arith.constant 0 : i32
      %add3A_114 = arith.addi %add3A_113, %mul3A_112 : i32
      %mul3A_115 = arith.constant 40 : i32
      %mul3A_116 = arith.muli %add3A_114, %mul3A_115 : i32
      %add3A_117 = arith.addi %mul3A_39, %mul3A_116 : i32
      %run_scoped3A_118 = arith.constant 0 : i32
      "tpu.region"() ({
        %run_scoped3A_119 = tpu.sem_alloc : memref<!tpu.dma_semaphore, #tpu.memory_space<semaphore_mem>>
        %dma_start3A = arith.constant 0 : i32
        %dma_start3A_120 = arith.constant 0 : i32
        %dma_start3A_121 = tpu.memref_slice %arg10[%run_scoped3A_118, %dma_start3A, %dma_start3A_120] : memref<5x40x128xf32, #tpu.memory_space<vmem>> -> memref<1x40x128xf32, #tpu.memory_space<vmem>>
        %dma_start3A_122 = tpu.memref_squeeze %dma_start3A_121 : memref<1x40x128xf32, #tpu.memory_space<vmem>> -> memref<40x128xf32, #tpu.memory_space<vmem>>
        %dma_start3A_123 = arith.constant 0 : i32
        %dma_start3A_124 = tpu.memref_slice %arg6[%add3A_117, %dma_start3A_123] : memref<10000x128xf32, #tpu.memory_space<vmem_shared>> -> memref<40x128xf32, #tpu.memory_space<vmem_shared>>
        %dma_start3A_125 = arith.constant 0 : i32
        %dma_start3A_126 = tpu.memref_slice %arg6[%add3A_117, %dma_start3A_125] : memref<10000x128xf32, #tpu.memory_space<vmem_shared>> -> memref<40x128xf32, #tpu.memory_space<vmem_shared>>
        %dma_start3A_127 = arith.constant 0 : i32
        %dma_start3A_128 = arith.constant 0 : i32
        %dma_start3A_129 = tpu.memref_slice %arg10[%run_scoped3A_118, %dma_start3A_127, %dma_start3A_128] : memref<5x40x128xf32, #tpu.memory_space<vmem>> -> memref<1x40x128xf32, #tpu.memory_space<vmem>>
        %dma_start3A_130 = tpu.memref_squeeze %dma_start3A_129 : memref<1x40x128xf32, #tpu.memory_space<vmem>> -> memref<40x128xf32, #tpu.memory_space<vmem>>
        tpu.enqueue_dma source(%dma_start3A_130 : memref<40x128xf32, #tpu.memory_space<vmem>>) target(%dma_start3A_126 : memref<40x128xf32, #tpu.memory_space<vmem_shared>>) target_semaphore(%run_scoped3A_119 : memref<!tpu.dma_semaphore, #tpu.memory_space<semaphore_mem>>)
        %dma_wait3A_131 = arith.constant 0 : i32
        %dma_wait3A_132 = arith.constant 0 : i32
        %dma_wait3A_133 = tpu.memref_slice %arg10[%run_scoped3A_118, %dma_wait3A_131, %dma_wait3A_132] : memref<5x40x128xf32, #tpu.memory_space<vmem>> -> memref<1x40x128xf32, #tpu.memory_space<vmem>>
        %dma_wait3A_134 = tpu.memref_squeeze %dma_wait3A_133 : memref<1x40x128xf32, #tpu.memory_space<vmem>> -> memref<40x128xf32, #tpu.memory_space<vmem>>
        %dma_wait3A_135 = arith.constant 0 : i32
        %dma_wait3A_136 = tpu.memref_slice %arg6[%add3A_117, %dma_wait3A_135] : memref<10000x128xf32, #tpu.memory_space<vmem_shared>> -> memref<40x128xf32, #tpu.memory_space<vmem_shared>>
        %dma_wait3A_137 = arith.constant 0 : i32
        %dma_wait3A_138 = tpu.memref_slice %arg6[%add3A_117, %dma_wait3A_137] : memref<10000x128xf32, #tpu.memory_space<vmem_shared>> -> memref<40x128xf32, #tpu.memory_space<vmem_shared>>
        %dma_wait3A_139 = arith.constant 0 : i32
        %dma_wait3A_140 = arith.constant 0 : i32
        %dma_wait3A_141 = tpu.memref_slice %arg10[%run_scoped3A_118, %dma_wait3A_139, %dma_wait3A_140] : memref<5x40x128xf32, #tpu.memory_space<vmem>> -> memref<1x40x128xf32, #tpu.memory_space<vmem>>
        %dma_wait3A_142 = tpu.memref_squeeze %dma_wait3A_141 : memref<1x40x128xf32, #tpu.memory_space<vmem>> -> memref<40x128xf32, #tpu.memory_space<vmem>>
        tpu.wait_dma2 semaphore(%run_scoped3A_119 : memref<!tpu.dma_semaphore, #tpu.memory_space<semaphore_mem>>) src(%dma_wait3A_142 : memref<40x128xf32, #tpu.memory_space<vmem>>) dst(%dma_wait3A_138 : memref<40x128xf32, #tpu.memory_space<vmem_shared>>)
        tpu.yield
      }) : () -> ()
    }
    %scan3A_44 = arith.constant 15 : i32
    %add3A_45 = arith.constant 625 : i32
    %add3A_46 = arith.addi %mul3A_39, %add3A_45 : i32
    %sub3A = arith.constant 25 : i32
    %sub3A_47 = arith.subi %add3A_46, %sub3A : i32
    %run_scoped3A = arith.constant 0 : i32
    "tpu.region"() ({
      %run_scoped3A_110 = tpu.sem_alloc : memref<!tpu.dma_semaphore, #tpu.memory_space<semaphore_mem>>
      %dma_start3A = arith.constant 0 : i32
      %dma_start3A_111 = arith.constant 0 : i32
      %dma_start3A_112 = tpu.memref_slice %arg10[%run_scoped3A, %dma_start3A, %dma_start3A_111] : memref<5x40x128xf32, #tpu.memory_space<vmem>> -> memref<1x25x128xf32, #tpu.memory_space<vmem>>
      %dma_start3A_113 = tpu.memref_squeeze %dma_start3A_112 : memref<1x25x128xf32, #tpu.memory_space<vmem>> -> memref<25x128xf32, #tpu.memory_space<vmem>>
      %dma_start3A_114 = arith.constant 0 : i32
      %dma_start3A_115 = tpu.memref_slice %arg6[%sub3A_47, %dma_start3A_114] : memref<10000x128xf32, #tpu.memory_space<vmem_shared>> -> memref<25x128xf32, #tpu.memory_space<vmem_shared>>
      %dma_start3A_116 = arith.constant 0 : i32
      %dma_start3A_117 = tpu.memref_slice %arg6[%sub3A_47, %dma_start3A_116] : memref<10000x128xf32, #tpu.memory_space<vmem_shared>> -> memref<25x128xf32, #tpu.memory_space<vmem_shared>>
      %dma_start3A_118 = arith.constant 0 : i32
      %dma_start3A_119 = arith.constant 0 : i32
      %dma_start3A_120 = tpu.memref_slice %arg10[%run_scoped3A, %dma_start3A_118, %dma_start3A_119] : memref<5x40x128xf32, #tpu.memory_space<vmem>> -> memref<1x25x128xf32, #tpu.memory_space<vmem>>
      %dma_start3A_121 = tpu.memref_squeeze %dma_start3A_120 : memref<1x25x128xf32, #tpu.memory_space<vmem>> -> memref<25x128xf32, #tpu.memory_space<vmem>>
      tpu.enqueue_dma source(%dma_start3A_121 : memref<25x128xf32, #tpu.memory_space<vmem>>) target(%dma_start3A_117 : memref<25x128xf32, #tpu.memory_space<vmem_shared>>) target_semaphore(%run_scoped3A_110 : memref<!tpu.dma_semaphore, #tpu.memory_space<semaphore_mem>>)
      %dma_wait3A_122 = arith.constant 0 : i32
      %dma_wait3A_123 = arith.constant 0 : i32
      %dma_wait3A_124 = tpu.memref_slice %arg10[%run_scoped3A, %dma_wait3A_122, %dma_wait3A_123] : memref<5x40x128xf32, #tpu.memory_space<vmem>> -> memref<1x25x128xf32, #tpu.memory_space<vmem>>
      %dma_wait3A_125 = tpu.memref_squeeze %dma_wait3A_124 : memref<1x25x128xf32, #tpu.memory_space<vmem>> -> memref<25x128xf32, #tpu.memory_space<vmem>>
      %dma_wait3A_126 = arith.constant 0 : i32
      %dma_wait3A_127 = tpu.memref_slice %arg6[%sub3A_47, %dma_wait3A_126] : memref<10000x128xf32, #tpu.memory_space<vmem_shared>> -> memref<25x128xf32, #tpu.memory_space<vmem_shared>>
      %dma_wait3A_128 = arith.constant 0 : i32
      %dma_wait3A_129 = tpu.memref_slice %arg6[%sub3A_47, %dma_wait3A_128] : memref<10000x128xf32, #tpu.memory_space<vmem_shared>> -> memref<25x128xf32, #tpu.memory_space<vmem_shared>>
      %dma_wait3A_130 = arith.constant 0 : i32
      %dma_wait3A_131 = arith.constant 0 : i32
      %dma_wait3A_132 = tpu.memref_slice %arg10[%run_scoped3A, %dma_wait3A_130, %dma_wait3A_131] : memref<5x40x128xf32, #tpu.memory_space<vmem>> -> memref<1x25x128xf32, #tpu.memory_space<vmem>>
      %dma_wait3A_133 = tpu.memref_squeeze %dma_wait3A_132 : memref<1x25x128xf32, #tpu.memory_space<vmem>> -> memref<25x128xf32, #tpu.memory_space<vmem>>
      tpu.wait_dma2 semaphore(%run_scoped3A_110 : memref<!tpu.dma_semaphore, #tpu.memory_space<semaphore_mem>>) src(%dma_wait3A_133 : memref<25x128xf32, #tpu.memory_space<vmem>>) dst(%dma_wait3A_129 : memref<25x128xf32, #tpu.memory_space<vmem_shared>>)
      tpu.yield
    }) : () -> ()
    %scan3A_48 = arith.constant 0 : i32
    %scan3A_49 = arith.constant 5 : i32
    %scan3A_50 = arith.addi %scan3A_48, %scan3A_49 : i32
    %scan3A_51 = arith.constant 1 : i32
    scf.for %scan3A_110 = %scan3A_48 to %scan3A_50 step %scan3A_51  : i32 {
      %mul3A_111 = arith.constant 1 : i32
      %mul3A_112 = arith.muli %scan3A_110, %mul3A_111 : i32
      %add3A_113 = arith.constant 0 : i32
      %add3A_114 = arith.addi %add3A_113, %mul3A_112 : i32
      %mul3A_115 = arith.constant 125 : i32
      %mul3A_116 = arith.muli %add3A_114, %mul3A_115 : i32
      %add3A_117 = arith.addi %mul3A_39, %mul3A_116 : i32
      "tpu.region"() ({
        %run_scoped3A_118 = tpu.sem_alloc : memref<!tpu.dma_semaphore, #tpu.memory_space<semaphore_mem>>
        %dma_start3A = arith.constant 0 : i32
        %dma_start3A_119 = tpu.memref_slice %arg7[%add3A_117, %dma_start3A] : memref<10000x16xf32, #tpu.memory_space<vmem_shared>> -> memref<125x16xf32, #tpu.memory_space<vmem_shared>>
        %dma_start3A_120 = arith.constant 0 : i32
        %dma_start3A_121 = tpu.memref_slice %arg7[%add3A_117, %dma_start3A_120] : memref<10000x16xf32, #tpu.memory_space<vmem_shared>> -> memref<125x16xf32, #tpu.memory_space<vmem_shared>>
        tpu.enqueue_dma source(%arg12 : memref<125x16xf32, #tpu.memory_space<vmem>>) target(%dma_start3A_121 : memref<125x16xf32, #tpu.memory_space<vmem_shared>>) target_semaphore(%run_scoped3A_118 : memref<!tpu.dma_semaphore, #tpu.memory_space<semaphore_mem>>)
        %dma_wait3A_122 = arith.constant 0 : i32
        %dma_wait3A_123 = tpu.memref_slice %arg7[%add3A_117, %dma_wait3A_122] : memref<10000x16xf32, #tpu.memory_space<vmem_shared>> -> memref<125x16xf32, #tpu.memory_space<vmem_shared>>
        %dma_wait3A_124 = arith.constant 0 : i32
        %dma_wait3A_125 = tpu.memref_slice %arg7[%add3A_117, %dma_wait3A_124] : memref<10000x16xf32, #tpu.memory_space<vmem_shared>> -> memref<125x16xf32, #tpu.memory_space<vmem_shared>>
        tpu.wait_dma2 semaphore(%run_scoped3A_118 : memref<!tpu.dma_semaphore, #tpu.memory_space<semaphore_mem>>) src(%arg12 : memref<125x16xf32, #tpu.memory_space<vmem>>) dst(%dma_wait3A_125 : memref<125x16xf32, #tpu.memory_space<vmem_shared>>)
        tpu.yield
      }) : () -> ()
    }
    %scan3A_52 = arith.constant 5 : i32
    %barrier3A = arith.constant 0 : index
    tpu.barrier barrier_id(%barrier3A)
    %mul3A_53 = arith.constant 250 : i32
    %mul3A_54 = arith.muli %add3A, %mul3A_53 : i32
    %scan3A_55 = arith.constant 0 : i32
    %scan3A_56 = arith.constant 2 : i32
    %scan3A_57 = arith.addi %scan3A_55, %scan3A_56 : i32
    %scan3A_58 = arith.constant 1 : i32
    scf.for %scan3A_110 = %scan3A_55 to %scan3A_57 step %scan3A_58  : i32 {
      %mul3A_111 = arith.constant 1 : i32
      %mul3A_112 = arith.muli %scan3A_110, %mul3A_111 : i32
      %add3A_113 = arith.constant 0 : i32
      %add3A_114 = arith.addi %add3A_113, %mul3A_112 : i32
      %mul3A_115 = arith.constant 125 : i32
      %mul3A_116 = arith.muli %add3A_114, %mul3A_115 : i32
      %add3A_117 = arith.addi %mul3A_54, %mul3A_116 : i32
      %run_scoped3A_118 = arith.constant 0 : i32
      "tpu.region"() ({
        %run_scoped3A_202 = tpu.sem_alloc : memref<!tpu.dma_semaphore, #tpu.memory_space<semaphore_mem>>
        %dma_start3A_203 = arith.constant 0 : i32
        %dma_start3A_204 = tpu.memref_slice %arg3[%run_scoped3A_118, %add3A_117, %dma_start3A_203] : memref<2x8000x40xi32, #tpu.memory_space<hbm>> -> memref<1x125x40xi32, #tpu.memory_space<hbm>>
        %dma_start3A_205 = tpu.memref_squeeze %dma_start3A_204 : memref<1x125x40xi32, #tpu.memory_space<hbm>> -> memref<125x40xi32, #tpu.memory_space<hbm>>
        %dma_start3A_206 = arith.constant 0 : i32
        %dma_start3A_207 = tpu.memref_slice %arg3[%run_scoped3A_118, %add3A_117, %dma_start3A_206] : memref<2x8000x40xi32, #tpu.memory_space<hbm>> -> memref<1x125x40xi32, #tpu.memory_space<hbm>>
        %dma_start3A_208 = tpu.memref_squeeze %dma_start3A_207 : memref<1x125x40xi32, #tpu.memory_space<hbm>> -> memref<125x40xi32, #tpu.memory_space<hbm>>
        tpu.enqueue_dma source(%dma_start3A_208 : memref<125x40xi32, #tpu.memory_space<hbm>>) target(%arg8 : memref<125x40xi32, #tpu.memory_space<vmem>>) target_semaphore(%run_scoped3A_202 : memref<!tpu.dma_semaphore, #tpu.memory_space<semaphore_mem>>)
        %dma_wait3A_209 = arith.constant 0 : i32
        %dma_wait3A_210 = tpu.memref_slice %arg3[%run_scoped3A_118, %add3A_117, %dma_wait3A_209] : memref<2x8000x40xi32, #tpu.memory_space<hbm>> -> memref<1x125x40xi32, #tpu.memory_space<hbm>>
        %dma_wait3A_211 = tpu.memref_squeeze %dma_wait3A_210 : memref<1x125x40xi32, #tpu.memory_space<hbm>> -> memref<125x40xi32, #tpu.memory_space<hbm>>
        %dma_wait3A_212 = arith.constant 0 : i32
        %dma_wait3A_213 = tpu.memref_slice %arg3[%run_scoped3A_118, %add3A_117, %dma_wait3A_212] : memref<2x8000x40xi32, #tpu.memory_space<hbm>> -> memref<1x125x40xi32, #tpu.memory_space<hbm>>
        %dma_wait3A_214 = tpu.memref_squeeze %dma_wait3A_213 : memref<1x125x40xi32, #tpu.memory_space<hbm>> -> memref<125x40xi32, #tpu.memory_space<hbm>>
        tpu.wait_dma2 semaphore(%run_scoped3A_202 : memref<!tpu.dma_semaphore, #tpu.memory_space<semaphore_mem>>) src(%dma_wait3A_214 : memref<125x40xi32, #tpu.memory_space<hbm>>) dst(%arg8 : memref<125x40xi32, #tpu.memory_space<vmem>>)
        tpu.yield
      }) : () -> ()
      %mul3A_119 = arith.constant 125 : i32
      %mul3A_120 = arith.muli %add3A_114, %mul3A_119 : i32
      %add3A_121 = arith.addi %mul3A_54, %mul3A_120 : i32
      %run_scoped3A_122 = arith.constant 1 : i32
      "tpu.region"() ({
        %run_scoped3A_202 = tpu.sem_alloc : memref<!tpu.dma_semaphore, #tpu.memory_space<semaphore_mem>>
        %dma_start3A_203 = arith.constant 0 : i32
        %dma_start3A_204 = tpu.memref_slice %arg3[%run_scoped3A_122, %add3A_121, %dma_start3A_203] : memref<2x8000x40xi32, #tpu.memory_space<hbm>> -> memref<1x125x40xi32, #tpu.memory_space<hbm>>
        %dma_start3A_205 = tpu.memref_squeeze %dma_start3A_204 : memref<1x125x40xi32, #tpu.memory_space<hbm>> -> memref<125x40xi32, #tpu.memory_space<hbm>>
        %dma_start3A_206 = arith.constant 0 : i32
        %dma_start3A_207 = tpu.memref_slice %arg3[%run_scoped3A_122, %add3A_121, %dma_start3A_206] : memref<2x8000x40xi32, #tpu.memory_space<hbm>> -> memref<1x125x40xi32, #tpu.memory_space<hbm>>
        %dma_start3A_208 = tpu.memref_squeeze %dma_start3A_207 : memref<1x125x40xi32, #tpu.memory_space<hbm>> -> memref<125x40xi32, #tpu.memory_space<hbm>>
        tpu.enqueue_dma source(%dma_start3A_208 : memref<125x40xi32, #tpu.memory_space<hbm>>) target(%arg9 : memref<125x40xi32, #tpu.memory_space<vmem>>) target_semaphore(%run_scoped3A_202 : memref<!tpu.dma_semaphore, #tpu.memory_space<semaphore_mem>>)
        %dma_wait3A_209 = arith.constant 0 : i32
        %dma_wait3A_210 = tpu.memref_slice %arg3[%run_scoped3A_122, %add3A_121, %dma_wait3A_209] : memref<2x8000x40xi32, #tpu.memory_space<hbm>> -> memref<1x125x40xi32, #tpu.memory_space<hbm>>
        %dma_wait3A_211 = tpu.memref_squeeze %dma_wait3A_210 : memref<1x125x40xi32, #tpu.memory_space<hbm>> -> memref<125x40xi32, #tpu.memory_space<hbm>>
        %dma_wait3A_212 = arith.constant 0 : i32
        %dma_wait3A_213 = tpu.memref_slice %arg3[%run_scoped3A_122, %add3A_121, %dma_wait3A_212] : memref<2x8000x40xi32, #tpu.memory_space<hbm>> -> memref<1x125x40xi32, #tpu.memory_space<hbm>>
        %dma_wait3A_214 = tpu.memref_squeeze %dma_wait3A_213 : memref<1x125x40xi32, #tpu.memory_space<hbm>> -> memref<125x40xi32, #tpu.memory_space<hbm>>
        tpu.wait_dma2 semaphore(%run_scoped3A_202 : memref<!tpu.dma_semaphore, #tpu.memory_space<semaphore_mem>>) src(%dma_wait3A_214 : memref<125x40xi32, #tpu.memory_space<hbm>>) dst(%arg9 : memref<125x40xi32, #tpu.memory_space<vmem>>)
        tpu.yield
      }) : () -> ()
      %dma_start3A = arith.constant 0 : i32
      %dma_start3A_123 = arith.constant 0 : i32
      %dma_start3A_124 = arith.constant 0 : i32
      %dma_start3A_125 = arith.constant 0 : i32
      %dma_start3A_126 = arith.constant 0 : i32
      %dma_start3A_127 = tpu.memref_slice %arg10[%dma_start3A_123, %dma_start3A_125, %dma_start3A_126] : memref<5x40x128xf32, #tpu.memory_space<vmem>> -> memref<1x40x128xf32, #tpu.memory_space<vmem>>
      %dma_start3A_128 = tpu.memref_squeeze %dma_start3A_127 : memref<1x40x128xf32, #tpu.memory_space<vmem>> -> memref<40x128xf32, #tpu.memory_space<vmem>>
      %dma_start3A_129 = arith.constant 0 : i32
      %dma_start3A_130 = tpu.memref_slice %arg8[%dma_start3A, %dma_start3A_129] : memref<125x40xi32, #tpu.memory_space<vmem>> -> memref<1x40xi32, #tpu.memory_space<vmem>>
      %dma_start3A_131 = tpu.memref_squeeze %dma_start3A_130 : memref<1x40xi32, #tpu.memory_space<vmem>> -> memref<40xi32, #tpu.memory_space<vmem>>
      %dma_start3A_132 = arith.constant 0 : i32
      %dma_start3A_133 = arith.constant 0 : i32
      %dma_start3A_134 = tpu.memref_slice %arg2[%dma_start3A_132, %dma_start3A_133] : memref<10000x128xf32, #tpu.memory_space<hbm>> -> memref<10000x128xf32, #tpu.memory_space<hbm>>
      %dma_start3A_135 = tpu.memref_slice %arg13[%dma_start3A_124] : memref<5x!tpu.dma_semaphore, #tpu.memory_space<semaphore_mem>> -> memref<1x!tpu.dma_semaphore, #tpu.memory_space<semaphore_mem>>
      %dma_start3A_136 = tpu.memref_squeeze %dma_start3A_135 : memref<1x!tpu.dma_semaphore, #tpu.memory_space<semaphore_mem>> -> memref<!tpu.dma_semaphore, #tpu.memory_space<semaphore_mem>>
      tpu.enqueue_indirect_dma source(%dma_start3A_134 : memref<10000x128xf32, #tpu.memory_space<hbm>>) target(%dma_start3A_128 : memref<40x128xf32, #tpu.memory_space<vmem>>) offsets(%dma_start3A_131 : memref<40xi32, #tpu.memory_space<vmem>>) semaphore(%dma_start3A_136 : memref<!tpu.dma_semaphore, #tpu.memory_space<semaphore_mem>>)
      %dma_start3A_137 = arith.constant 1 : i32
      %dma_start3A_138 = arith.constant 1 : i32
      %dma_start3A_139 = arith.constant 1 : i32
      %dma_start3A_140 = arith.constant 0 : i32
      %dma_start3A_141 = arith.constant 0 : i32
      %dma_start3A_142 = tpu.memref_slice %arg10[%dma_start3A_138, %dma_start3A_140, %dma_start3A_141] : memref<5x40x128xf32, #tpu.memory_space<vmem>> -> memref<1x40x128xf32, #tpu.memory_space<vmem>>
      %dma_start3A_143 = tpu.memref_squeeze %dma_start3A_142 : memref<1x40x128xf32, #tpu.memory_space<vmem>> -> memref<40x128xf32, #tpu.memory_space<vmem>>
      %dma_start3A_144 = arith.constant 0 : i32
      %dma_start3A_145 = tpu.memref_slice %arg8[%dma_start3A_137, %dma_start3A_144] : memref<125x40xi32, #tpu.memory_space<vmem>> -> memref<1x40xi32, #tpu.memory_space<vmem>>
      %dma_start3A_146 = tpu.memref_squeeze %dma_start3A_145 : memref<1x40xi32, #tpu.memory_space<vmem>> -> memref<40xi32, #tpu.memory_space<vmem>>
      %dma_start3A_147 = arith.constant 0 : i32
      %dma_start3A_148 = arith.constant 0 : i32
      %dma_start3A_149 = tpu.memref_slice %arg2[%dma_start3A_147, %dma_start3A_148] : memref<10000x128xf32, #tpu.memory_space<hbm>> -> memref<10000x128xf32, #tpu.memory_space<hbm>>
      %dma_start3A_150 = tpu.memref_slice %arg13[%dma_start3A_139] : memref<5x!tpu.dma_semaphore, #tpu.memory_space<semaphore_mem>> -> memref<1x!tpu.dma_semaphore, #tpu.memory_space<semaphore_mem>>
      %dma_start3A_151 = tpu.memref_squeeze %dma_start3A_150 : memref<1x!tpu.dma_semaphore, #tpu.memory_space<semaphore_mem>> -> memref<!tpu.dma_semaphore, #tpu.memory_space<semaphore_mem>>
      tpu.enqueue_indirect_dma source(%dma_start3A_149 : memref<10000x128xf32, #tpu.memory_space<hbm>>) target(%dma_start3A_143 : memref<40x128xf32, #tpu.memory_space<vmem>>) offsets(%dma_start3A_146 : memref<40xi32, #tpu.memory_space<vmem>>) semaphore(%dma_start3A_151 : memref<!tpu.dma_semaphore, #tpu.memory_space<semaphore_mem>>)
      %dma_start3A_152 = arith.constant 2 : i32
      %dma_start3A_153 = arith.constant 2 : i32
      %dma_start3A_154 = arith.constant 2 : i32
      %dma_start3A_155 = arith.constant 0 : i32
      %dma_start3A_156 = arith.constant 0 : i32
      %dma_start3A_157 = tpu.memref_slice %arg10[%dma_start3A_153, %dma_start3A_155, %dma_start3A_156] : memref<5x40x128xf32, #tpu.memory_space<vmem>> -> memref<1x40x128xf32, #tpu.memory_space<vmem>>
      %dma_start3A_158 = tpu.memref_squeeze %dma_start3A_157 : memref<1x40x128xf32, #tpu.memory_space<vmem>> -> memref<40x128xf32, #tpu.memory_space<vmem>>
      %dma_start3A_159 = arith.constant 0 : i32
      %dma_start3A_160 = tpu.memref_slice %arg8[%dma_start3A_152, %dma_start3A_159] : memref<125x40xi32, #tpu.memory_space<vmem>> -> memref<1x40xi32, #tpu.memory_space<vmem>>
      %dma_start3A_161 = tpu.memref_squeeze %dma_start3A_160 : memref<1x40xi32, #tpu.memory_space<vmem>> -> memref<40xi32, #tpu.memory_space<vmem>>
      %dma_start3A_162 = arith.constant 0 : i32
      %dma_start3A_163 = arith.constant 0 : i32
      %dma_start3A_164 = tpu.memref_slice %arg2[%dma_start3A_162, %dma_start3A_163] : memref<10000x128xf32, #tpu.memory_space<hbm>> -> memref<10000x128xf32, #tpu.memory_space<hbm>>
      %dma_start3A_165 = tpu.memref_slice %arg13[%dma_start3A_154] : memref<5x!tpu.dma_semaphore, #tpu.memory_space<semaphore_mem>> -> memref<1x!tpu.dma_semaphore, #tpu.memory_space<semaphore_mem>>
      %dma_start3A_166 = tpu.memref_squeeze %dma_start3A_165 : memref<1x!tpu.dma_semaphore, #tpu.memory_space<semaphore_mem>> -> memref<!tpu.dma_semaphore, #tpu.memory_space<semaphore_mem>>
      tpu.enqueue_indirect_dma source(%dma_start3A_164 : memref<10000x128xf32, #tpu.memory_space<hbm>>) target(%dma_start3A_158 : memref<40x128xf32, #tpu.memory_space<vmem>>) offsets(%dma_start3A_161 : memref<40xi32, #tpu.memory_space<vmem>>) semaphore(%dma_start3A_166 : memref<!tpu.dma_semaphore, #tpu.memory_space<semaphore_mem>>)
      %dma_start3A_167 = arith.constant 3 : i32
      %dma_start3A_168 = arith.constant 3 : i32
      %dma_start3A_169 = arith.constant 3 : i32
      %dma_start3A_170 = arith.constant 0 : i32
      %dma_start3A_171 = arith.constant 0 : i32
      %dma_start3A_172 = tpu.memref_slice %arg10[%dma_start3A_168, %dma_start3A_170, %dma_start3A_171] : memref<5x40x128xf32, #tpu.memory_space<vmem>> -> memref<1x40x128xf32, #tpu.memory_space<vmem>>
      %dma_start3A_173 = tpu.memref_squeeze %dma_start3A_172 : memref<1x40x128xf32, #tpu.memory_space<vmem>> -> memref<40x128xf32, #tpu.memory_space<vmem>>
      %dma_start3A_174 = arith.constant 0 : i32
      %dma_start3A_175 = tpu.memref_slice %arg8[%dma_start3A_167, %dma_start3A_174] : memref<125x40xi32, #tpu.memory_space<vmem>> -> memref<1x40xi32, #tpu.memory_space<vmem>>
      %dma_start3A_176 = tpu.memref_squeeze %dma_start3A_175 : memref<1x40xi32, #tpu.memory_space<vmem>> -> memref<40xi32, #tpu.memory_space<vmem>>
      %dma_start3A_177 = arith.constant 0 : i32
      %dma_start3A_178 = arith.constant 0 : i32
      %dma_start3A_179 = tpu.memref_slice %arg2[%dma_start3A_177, %dma_start3A_178] : memref<10000x128xf32, #tpu.memory_space<hbm>> -> memref<10000x128xf32, #tpu.memory_space<hbm>>
      %dma_start3A_180 = tpu.memref_slice %arg13[%dma_start3A_169] : memref<5x!tpu.dma_semaphore, #tpu.memory_space<semaphore_mem>> -> memref<1x!tpu.dma_semaphore, #tpu.memory_space<semaphore_mem>>
      %dma_start3A_181 = tpu.memref_squeeze %dma_start3A_180 : memref<1x!tpu.dma_semaphore, #tpu.memory_space<semaphore_mem>> -> memref<!tpu.dma_semaphore, #tpu.memory_space<semaphore_mem>>
      tpu.enqueue_indirect_dma source(%dma_start3A_179 : memref<10000x128xf32, #tpu.memory_space<hbm>>) target(%dma_start3A_173 : memref<40x128xf32, #tpu.memory_space<vmem>>) offsets(%dma_start3A_176 : memref<40xi32, #tpu.memory_space<vmem>>) semaphore(%dma_start3A_181 : memref<!tpu.dma_semaphore, #tpu.memory_space<semaphore_mem>>)
      %dma_start3A_182 = arith.constant 4 : i32
      %dma_start3A_183 = arith.constant 4 : i32
      %dma_start3A_184 = arith.constant 4 : i32
      %dma_start3A_185 = arith.constant 0 : i32
      %dma_start3A_186 = arith.constant 0 : i32
      %dma_start3A_187 = tpu.memref_slice %arg10[%dma_start3A_183, %dma_start3A_185, %dma_start3A_186] : memref<5x40x128xf32, #tpu.memory_space<vmem>> -> memref<1x40x128xf32, #tpu.memory_space<vmem>>
      %dma_start3A_188 = tpu.memref_squeeze %dma_start3A_187 : memref<1x40x128xf32, #tpu.memory_space<vmem>> -> memref<40x128xf32, #tpu.memory_space<vmem>>
      %dma_start3A_189 = arith.constant 0 : i32
      %dma_start3A_190 = tpu.memref_slice %arg8[%dma_start3A_182, %dma_start3A_189] : memref<125x40xi32, #tpu.memory_space<vmem>> -> memref<1x40xi32, #tpu.memory_space<vmem>>
      %dma_start3A_191 = tpu.memref_squeeze %dma_start3A_190 : memref<1x40xi32, #tpu.memory_space<vmem>> -> memref<40xi32, #tpu.memory_space<vmem>>
      %dma_start3A_192 = arith.constant 0 : i32
      %dma_start3A_193 = arith.constant 0 : i32
      %dma_start3A_194 = tpu.memref_slice %arg2[%dma_start3A_192, %dma_start3A_193] : memref<10000x128xf32, #tpu.memory_space<hbm>> -> memref<10000x128xf32, #tpu.memory_space<hbm>>
      %dma_start3A_195 = tpu.memref_slice %arg13[%dma_start3A_184] : memref<5x!tpu.dma_semaphore, #tpu.memory_space<semaphore_mem>> -> memref<1x!tpu.dma_semaphore, #tpu.memory_space<semaphore_mem>>
      %dma_start3A_196 = tpu.memref_squeeze %dma_start3A_195 : memref<1x!tpu.dma_semaphore, #tpu.memory_space<semaphore_mem>> -> memref<!tpu.dma_semaphore, #tpu.memory_space<semaphore_mem>>
      tpu.enqueue_indirect_dma source(%dma_start3A_194 : memref<10000x128xf32, #tpu.memory_space<hbm>>) target(%dma_start3A_188 : memref<40x128xf32, #tpu.memory_space<vmem>>) offsets(%dma_start3A_191 : memref<40xi32, #tpu.memory_space<vmem>>) semaphore(%dma_start3A_196 : memref<!tpu.dma_semaphore, #tpu.memory_space<semaphore_mem>>)
      %scan3A_197 = arith.constant 0 : i32
      %scan3A_198 = arith.constant 25 : i32
      %scan3A_199 = arith.addi %scan3A_197, %scan3A_198 : i32
      %scan3A_200 = arith.constant 1 : i32
      scf.for %scan3A_202 = %scan3A_197 to %scan3A_199 step %scan3A_200  : i32 {
        %mul3A_203 = arith.constant 5 : i32
        %mul3A_204 = arith.muli %scan3A_202, %mul3A_203 : i32
        %add3A_205 = arith.constant 0 : i32
        %add3A_206 = arith.addi %add3A_205, %mul3A_204 : i32
        %add3A_207 = arith.constant 0 : i32
        %add3A_208 = arith.addi %add3A_206, %add3A_207 : i32
        %dma_wait3A_209 = arith.constant 0 : i32
        %dma_wait3A_210 = arith.constant 0 : i32
        %dma_wait3A_211 = arith.constant 0 : i32
        %dma_wait3A_212 = arith.constant 0 : i32
        %dma_wait3A_213 = arith.constant 0 : i32
        %dma_wait3A_214 = tpu.memref_slice %arg10[%dma_wait3A_210, %dma_wait3A_212, %dma_wait3A_213] : memref<5x40x128xf32, #tpu.memory_space<vmem>> -> memref<1x40x128xf32, #tpu.memory_space<vmem>>
        %dma_wait3A_215 = tpu.memref_squeeze %dma_wait3A_214 : memref<1x40x128xf32, #tpu.memory_space<vmem>> -> memref<40x128xf32, #tpu.memory_space<vmem>>
        %dma_wait3A_216 = arith.constant 0 : i32
        %dma_wait3A_217 = tpu.memref_slice %arg8[%dma_wait3A_209, %dma_wait3A_216] : memref<125x40xi32, #tpu.memory_space<vmem>> -> memref<1x40xi32, #tpu.memory_space<vmem>>
        %dma_wait3A_218 = tpu.memref_squeeze %dma_wait3A_217 : memref<1x40xi32, #tpu.memory_space<vmem>> -> memref<40xi32, #tpu.memory_space<vmem>>
        %dma_wait3A_219 = arith.constant 0 : i32
        %dma_wait3A_220 = arith.constant 0 : i32
        %dma_wait3A_221 = tpu.memref_slice %arg2[%dma_wait3A_219, %dma_wait3A_220] : memref<10000x128xf32, #tpu.memory_space<hbm>> -> memref<10000x128xf32, #tpu.memory_space<hbm>>
        %dma_wait3A_222 = tpu.memref_slice %arg13[%dma_wait3A_211] : memref<5x!tpu.dma_semaphore, #tpu.memory_space<semaphore_mem>> -> memref<1x!tpu.dma_semaphore, #tpu.memory_space<semaphore_mem>>
        %dma_wait3A_223 = tpu.memref_squeeze %dma_wait3A_222 : memref<1x!tpu.dma_semaphore, #tpu.memory_space<semaphore_mem>> -> memref<!tpu.dma_semaphore, #tpu.memory_space<semaphore_mem>>
        tpu.wait_indirect_dma semaphore(%dma_wait3A_223 : memref<!tpu.dma_semaphore, #tpu.memory_space<semaphore_mem>>) src(%dma_wait3A_221 : memref<10000x128xf32, #tpu.memory_space<hbm>>) dst(%dma_wait3A_215 : memref<40x128xf32, #tpu.memory_space<vmem>>)
        %dma_start3A_224 = arith.constant 0 : i32
        %dma_start3A_225 = arith.constant 0 : i32
        %dma_start3A_226 = arith.constant 0 : i32
        %dma_start3A_227 = arith.constant 0 : i32
        %dma_start3A_228 = tpu.memref_slice %arg10[%dma_start3A_224, %dma_start3A_226, %dma_start3A_227] : memref<5x40x128xf32, #tpu.memory_space<vmem>> -> memref<1x40x128xf32, #tpu.memory_space<vmem>>
        %dma_start3A_229 = tpu.memref_squeeze %dma_start3A_228 : memref<1x40x128xf32, #tpu.memory_space<vmem>> -> memref<40x128xf32, #tpu.memory_space<vmem>>
        %dma_start3A_230 = arith.constant 0 : i32
        %dma_start3A_231 = tpu.memref_slice %arg9[%add3A_208, %dma_start3A_230] : memref<125x40xi32, #tpu.memory_space<vmem>> -> memref<1x40xi32, #tpu.memory_space<vmem>>
        %dma_start3A_232 = tpu.memref_squeeze %dma_start3A_231 : memref<1x40xi32, #tpu.memory_space<vmem>> -> memref<40xi32, #tpu.memory_space<vmem>>
        %dma_start3A_233 = arith.constant 0 : i32
        %dma_start3A_234 = arith.constant 0 : i32
        %dma_start3A_235 = tpu.memref_slice %arg6[%dma_start3A_233, %dma_start3A_234] : memref<10000x128xf32, #tpu.memory_space<vmem_shared>> -> memref<10000x128xf32, #tpu.memory_space<vmem_shared>>
        %dma_start3A_236 = tpu.memref_slice %arg14[%dma_start3A_225] : memref<5x!tpu.dma_semaphore, #tpu.memory_space<semaphore_mem>> -> memref<1x!tpu.dma_semaphore, #tpu.memory_space<semaphore_mem>>
        %dma_start3A_237 = tpu.memref_squeeze %dma_start3A_236 : memref<1x!tpu.dma_semaphore, #tpu.memory_space<semaphore_mem>> -> memref<!tpu.dma_semaphore, #tpu.memory_space<semaphore_mem>>
        tpu.enqueue_indirect_dma source(%dma_start3A_229 : memref<40x128xf32, #tpu.memory_space<vmem>>) target(%dma_start3A_235 : memref<10000x128xf32, #tpu.memory_space<vmem_shared>>) offsets(%dma_start3A_232 : memref<40xi32, #tpu.memory_space<vmem>>) semaphore(%dma_start3A_237 : memref<!tpu.dma_semaphore, #tpu.memory_space<semaphore_mem>>) {add = true}
        %gt3A = arith.constant 0 : i32
        %gt3A_238 = arith.cmpi sgt, %add3A_114, %gt3A : i32
        %gt3A_239 = arith.constant 0 : i32
        %gt3A_240 = arith.cmpi sgt, %add3A_206, %gt3A_239 : i32
        %or3A = arith.ori %gt3A_238, %gt3A_240 : i1
        %convert_element_type3A = arith.extui %or3A : i1 to i32
        %cond3A = arith.constant 0 : i32
        %cond3A_241 = arith.cmpi ne, %convert_element_type3A, %cond3A : i32
        scf.if %cond3A_241 {
          %dma_wait3A_547 = arith.constant 0 : i32
          %dma_wait3A_548 = arith.constant 0 : i32
          %dma_wait3A_549 = tpu.memref_slice %arg9[%add3A_208, %dma_wait3A_548] : memref<125x40xi32, #tpu.memory_space<vmem>> -> memref<1x40xi32, #tpu.memory_space<vmem>>
          %dma_wait3A_550 = tpu.memref_squeeze %dma_wait3A_549 : memref<1x40xi32, #tpu.memory_space<vmem>> -> memref<40xi32, #tpu.memory_space<vmem>>
          %dma_wait3A_551 = arith.constant 0 : i32
          %dma_wait3A_552 = arith.constant 0 : i32
          %dma_wait3A_553 = tpu.memref_slice %arg7[%dma_wait3A_551, %dma_wait3A_552] : memref<10000x16xf32, #tpu.memory_space<vmem_shared>> -> memref<10000x16xf32, #tpu.memory_space<vmem_shared>>
          %dma_wait3A_554 = tpu.memref_slice %arg15[%dma_wait3A_547] : memref<5x!tpu.dma_semaphore, #tpu.memory_space<semaphore_mem>> -> memref<1x!tpu.dma_semaphore, #tpu.memory_space<semaphore_mem>>
          %dma_wait3A_555 = tpu.memref_squeeze %dma_wait3A_554 : memref<1x!tpu.dma_semaphore, #tpu.memory_space<semaphore_mem>> -> memref<!tpu.dma_semaphore, #tpu.memory_space<semaphore_mem>>
          tpu.wait_indirect_dma semaphore(%dma_wait3A_555 : memref<!tpu.dma_semaphore, #tpu.memory_space<semaphore_mem>>) src(%arg11 : memref<40x16xf32, #tpu.memory_space<vmem>>) dst(%dma_wait3A_553 : memref<10000x16xf32, #tpu.memory_space<vmem_shared>>)
        } else {
        }
        %dma_start3A_242 = arith.constant 0 : i32
        %dma_start3A_243 = arith.constant 0 : i32
        %dma_start3A_244 = tpu.memref_slice %arg9[%add3A_208, %dma_start3A_243] : memref<125x40xi32, #tpu.memory_space<vmem>> -> memref<1x40xi32, #tpu.memory_space<vmem>>
        %dma_start3A_245 = tpu.memref_squeeze %dma_start3A_244 : memref<1x40xi32, #tpu.memory_space<vmem>> -> memref<40xi32, #tpu.memory_space<vmem>>
        %dma_start3A_246 = arith.constant 0 : i32
        %dma_start3A_247 = arith.constant 0 : i32
        %dma_start3A_248 = tpu.memref_slice %arg7[%dma_start3A_246, %dma_start3A_247] : memref<10000x16xf32, #tpu.memory_space<vmem_shared>> -> memref<10000x16xf32, #tpu.memory_space<vmem_shared>>
        %dma_start3A_249 = tpu.memref_slice %arg15[%dma_start3A_242] : memref<5x!tpu.dma_semaphore, #tpu.memory_space<semaphore_mem>> -> memref<1x!tpu.dma_semaphore, #tpu.memory_space<semaphore_mem>>
        %dma_start3A_250 = tpu.memref_squeeze %dma_start3A_249 : memref<1x!tpu.dma_semaphore, #tpu.memory_space<semaphore_mem>> -> memref<!tpu.dma_semaphore, #tpu.memory_space<semaphore_mem>>
        tpu.enqueue_indirect_dma source(%arg11 : memref<40x16xf32, #tpu.memory_space<vmem>>) target(%dma_start3A_248 : memref<10000x16xf32, #tpu.memory_space<vmem_shared>>) offsets(%dma_start3A_245 : memref<40xi32, #tpu.memory_space<vmem>>) semaphore(%dma_start3A_250 : memref<!tpu.dma_semaphore, #tpu.memory_space<semaphore_mem>>) {add = true}
        %dma_wait3A_251 = arith.constant 0 : i32
        %dma_wait3A_252 = arith.constant 0 : i32
        %dma_wait3A_253 = arith.constant 0 : i32
        %dma_wait3A_254 = arith.constant 0 : i32
        %dma_wait3A_255 = tpu.memref_slice %arg10[%dma_wait3A_251, %dma_wait3A_253, %dma_wait3A_254] : memref<5x40x128xf32, #tpu.memory_space<vmem>> -> memref<1x40x128xf32, #tpu.memory_space<vmem>>
        %dma_wait3A_256 = tpu.memref_squeeze %dma_wait3A_255 : memref<1x40x128xf32, #tpu.memory_space<vmem>> -> memref<40x128xf32, #tpu.memory_space<vmem>>
        %dma_wait3A_257 = arith.constant 0 : i32
        %dma_wait3A_258 = tpu.memref_slice %arg9[%add3A_208, %dma_wait3A_257] : memref<125x40xi32, #tpu.memory_space<vmem>> -> memref<1x40xi32, #tpu.memory_space<vmem>>
        %dma_wait3A_259 = tpu.memref_squeeze %dma_wait3A_258 : memref<1x40xi32, #tpu.memory_space<vmem>> -> memref<40xi32, #tpu.memory_space<vmem>>
        %dma_wait3A_260 = arith.constant 0 : i32
        %dma_wait3A_261 = arith.constant 0 : i32
        %dma_wait3A_262 = tpu.memref_slice %arg6[%dma_wait3A_260, %dma_wait3A_261] : memref<10000x128xf32, #tpu.memory_space<vmem_shared>> -> memref<10000x128xf32, #tpu.memory_space<vmem_shared>>
        %dma_wait3A_263 = tpu.memref_slice %arg14[%dma_wait3A_252] : memref<5x!tpu.dma_semaphore, #tpu.memory_space<semaphore_mem>> -> memref<1x!tpu.dma_semaphore, #tpu.memory_space<semaphore_mem>>
        %dma_wait3A_264 = tpu.memref_squeeze %dma_wait3A_263 : memref<1x!tpu.dma_semaphore, #tpu.memory_space<semaphore_mem>> -> memref<!tpu.dma_semaphore, #tpu.memory_space<semaphore_mem>>
        tpu.wait_indirect_dma semaphore(%dma_wait3A_264 : memref<!tpu.dma_semaphore, #tpu.memory_space<semaphore_mem>>) src(%dma_wait3A_256 : memref<40x128xf32, #tpu.memory_space<vmem>>) dst(%dma_wait3A_262 : memref<10000x128xf32, #tpu.memory_space<vmem_shared>>)
        %add3A_265 = arith.constant 5 : i32
        %add3A_266 = arith.addi %add3A_208, %add3A_265 : i32
        %lt3A = arith.constant 125 : i32
        %lt3A_267 = arith.cmpi slt, %add3A_266, %lt3A : i32
        %convert_element_type3A_268 = arith.extui %lt3A_267 : i1 to i32
        %cond3A_269 = arith.constant 0 : i32
        %cond3A_270 = arith.cmpi ne, %convert_element_type3A_268, %cond3A_269 : i32
        scf.if %cond3A_270 {
          %add3A_547 = arith.constant 5 : i32
          %add3A_548 = arith.addi %add3A_208, %add3A_547 : i32
          %dma_start3A_549 = arith.constant 0 : i32
          %dma_start3A_550 = arith.constant 0 : i32
          %dma_start3A_551 = arith.constant 0 : i32
          %dma_start3A_552 = arith.constant 0 : i32
          %dma_start3A_553 = tpu.memref_slice %arg10[%dma_start3A_549, %dma_start3A_551, %dma_start3A_552] : memref<5x40x128xf32, #tpu.memory_space<vmem>> -> memref<1x40x128xf32, #tpu.memory_space<vmem>>
          %dma_start3A_554 = tpu.memref_squeeze %dma_start3A_553 : memref<1x40x128xf32, #tpu.memory_space<vmem>> -> memref<40x128xf32, #tpu.memory_space<vmem>>
          %dma_start3A_555 = arith.constant 0 : i32
          %dma_start3A_556 = tpu.memref_slice %arg8[%add3A_548, %dma_start3A_555] : memref<125x40xi32, #tpu.memory_space<vmem>> -> memref<1x40xi32, #tpu.memory_space<vmem>>
          %dma_start3A_557 = tpu.memref_squeeze %dma_start3A_556 : memref<1x40xi32, #tpu.memory_space<vmem>> -> memref<40xi32, #tpu.memory_space<vmem>>
          %dma_start3A_558 = arith.constant 0 : i32
          %dma_start3A_559 = arith.constant 0 : i32
          %dma_start3A_560 = tpu.memref_slice %arg2[%dma_start3A_558, %dma_start3A_559] : memref<10000x128xf32, #tpu.memory_space<hbm>> -> memref<10000x128xf32, #tpu.memory_space<hbm>>
          %dma_start3A_561 = tpu.memref_slice %arg13[%dma_start3A_550] : memref<5x!tpu.dma_semaphore, #tpu.memory_space<semaphore_mem>> -> memref<1x!tpu.dma_semaphore, #tpu.memory_space<semaphore_mem>>
          %dma_start3A_562 = tpu.memref_squeeze %dma_start3A_561 : memref<1x!tpu.dma_semaphore, #tpu.memory_space<semaphore_mem>> -> memref<!tpu.dma_semaphore, #tpu.memory_space<semaphore_mem>>
          tpu.enqueue_indirect_dma source(%dma_start3A_560 : memref<10000x128xf32, #tpu.memory_space<hbm>>) target(%dma_start3A_554 : memref<40x128xf32, #tpu.memory_space<vmem>>) offsets(%dma_start3A_557 : memref<40xi32, #tpu.memory_space<vmem>>) semaphore(%dma_start3A_562 : memref<!tpu.dma_semaphore, #tpu.memory_space<semaphore_mem>>)
        } else {
        }
        %add3A_271 = arith.constant 1 : i32
        %add3A_272 = arith.addi %add3A_206, %add3A_271 : i32
        %dma_wait3A_273 = arith.constant 1 : i32
        %dma_wait3A_274 = arith.constant 1 : i32
        %dma_wait3A_275 = arith.constant 1 : i32
        %dma_wait3A_276 = arith.constant 0 : i32
        %dma_wait3A_277 = arith.constant 0 : i32
        %dma_wait3A_278 = tpu.memref_slice %arg10[%dma_wait3A_274, %dma_wait3A_276, %dma_wait3A_277] : memref<5x40x128xf32, #tpu.memory_space<vmem>> -> memref<1x40x128xf32, #tpu.memory_space<vmem>>
        %dma_wait3A_279 = tpu.memref_squeeze %dma_wait3A_278 : memref<1x40x128xf32, #tpu.memory_space<vmem>> -> memref<40x128xf32, #tpu.memory_space<vmem>>
        %dma_wait3A_280 = arith.constant 0 : i32
        %dma_wait3A_281 = tpu.memref_slice %arg8[%dma_wait3A_273, %dma_wait3A_280] : memref<125x40xi32, #tpu.memory_space<vmem>> -> memref<1x40xi32, #tpu.memory_space<vmem>>
        %dma_wait3A_282 = tpu.memref_squeeze %dma_wait3A_281 : memref<1x40xi32, #tpu.memory_space<vmem>> -> memref<40xi32, #tpu.memory_space<vmem>>
        %dma_wait3A_283 = arith.constant 0 : i32
        %dma_wait3A_284 = arith.constant 0 : i32
        %dma_wait3A_285 = tpu.memref_slice %arg2[%dma_wait3A_283, %dma_wait3A_284] : memref<10000x128xf32, #tpu.memory_space<hbm>> -> memref<10000x128xf32, #tpu.memory_space<hbm>>
        %dma_wait3A_286 = tpu.memref_slice %arg13[%dma_wait3A_275] : memref<5x!tpu.dma_semaphore, #tpu.memory_space<semaphore_mem>> -> memref<1x!tpu.dma_semaphore, #tpu.memory_space<semaphore_mem>>
        %dma_wait3A_287 = tpu.memref_squeeze %dma_wait3A_286 : memref<1x!tpu.dma_semaphore, #tpu.memory_space<semaphore_mem>> -> memref<!tpu.dma_semaphore, #tpu.memory_space<semaphore_mem>>
        tpu.wait_indirect_dma semaphore(%dma_wait3A_287 : memref<!tpu.dma_semaphore, #tpu.memory_space<semaphore_mem>>) src(%dma_wait3A_285 : memref<10000x128xf32, #tpu.memory_space<hbm>>) dst(%dma_wait3A_279 : memref<40x128xf32, #tpu.memory_space<vmem>>)
        %dma_start3A_288 = arith.constant 1 : i32
        %dma_start3A_289 = arith.constant 1 : i32
        %dma_start3A_290 = arith.constant 0 : i32
        %dma_start3A_291 = arith.constant 0 : i32
        %dma_start3A_292 = tpu.memref_slice %arg10[%dma_start3A_288, %dma_start3A_290, %dma_start3A_291] : memref<5x40x128xf32, #tpu.memory_space<vmem>> -> memref<1x40x128xf32, #tpu.memory_space<vmem>>
        %dma_start3A_293 = tpu.memref_squeeze %dma_start3A_292 : memref<1x40x128xf32, #tpu.memory_space<vmem>> -> memref<40x128xf32, #tpu.memory_space<vmem>>
        %dma_start3A_294 = arith.constant 0 : i32
        %dma_start3A_295 = tpu.memref_slice %arg9[%add3A_272, %dma_start3A_294] : memref<125x40xi32, #tpu.memory_space<vmem>> -> memref<1x40xi32, #tpu.memory_space<vmem>>
        %dma_start3A_296 = tpu.memref_squeeze %dma_start3A_295 : memref<1x40xi32, #tpu.memory_space<vmem>> -> memref<40xi32, #tpu.memory_space<vmem>>
        %dma_start3A_297 = arith.constant 0 : i32
        %dma_start3A_298 = arith.constant 0 : i32
        %dma_start3A_299 = tpu.memref_slice %arg6[%dma_start3A_297, %dma_start3A_298] : memref<10000x128xf32, #tpu.memory_space<vmem_shared>> -> memref<10000x128xf32, #tpu.memory_space<vmem_shared>>
        %dma_start3A_300 = tpu.memref_slice %arg14[%dma_start3A_289] : memref<5x!tpu.dma_semaphore, #tpu.memory_space<semaphore_mem>> -> memref<1x!tpu.dma_semaphore, #tpu.memory_space<semaphore_mem>>
        %dma_start3A_301 = tpu.memref_squeeze %dma_start3A_300 : memref<1x!tpu.dma_semaphore, #tpu.memory_space<semaphore_mem>> -> memref<!tpu.dma_semaphore, #tpu.memory_space<semaphore_mem>>
        tpu.enqueue_indirect_dma source(%dma_start3A_293 : memref<40x128xf32, #tpu.memory_space<vmem>>) target(%dma_start3A_299 : memref<10000x128xf32, #tpu.memory_space<vmem_shared>>) offsets(%dma_start3A_296 : memref<40xi32, #tpu.memory_space<vmem>>) semaphore(%dma_start3A_301 : memref<!tpu.dma_semaphore, #tpu.memory_space<semaphore_mem>>) {add = true}
        %gt3A_302 = arith.constant 0 : i32
        %gt3A_303 = arith.cmpi sgt, %add3A_114, %gt3A_302 : i32
        %gt3A_304 = arith.constant 0 : i32
        %gt3A_305 = arith.cmpi sgt, %add3A_206, %gt3A_304 : i32
        %or3A_306 = arith.ori %gt3A_303, %gt3A_305 : i1
        %convert_element_type3A_307 = arith.extui %or3A_306 : i1 to i32
        %cond3A_308 = arith.constant 0 : i32
        %cond3A_309 = arith.cmpi ne, %convert_element_type3A_307, %cond3A_308 : i32
        scf.if %cond3A_309 {
          %dma_wait3A_547 = arith.constant 1 : i32
          %dma_wait3A_548 = arith.constant 0 : i32
          %dma_wait3A_549 = tpu.memref_slice %arg9[%add3A_272, %dma_wait3A_548] : memref<125x40xi32, #tpu.memory_space<vmem>> -> memref<1x40xi32, #tpu.memory_space<vmem>>
          %dma_wait3A_550 = tpu.memref_squeeze %dma_wait3A_549 : memref<1x40xi32, #tpu.memory_space<vmem>> -> memref<40xi32, #tpu.memory_space<vmem>>
          %dma_wait3A_551 = arith.constant 0 : i32
          %dma_wait3A_552 = arith.constant 0 : i32
          %dma_wait3A_553 = tpu.memref_slice %arg7[%dma_wait3A_551, %dma_wait3A_552] : memref<10000x16xf32, #tpu.memory_space<vmem_shared>> -> memref<10000x16xf32, #tpu.memory_space<vmem_shared>>
          %dma_wait3A_554 = tpu.memref_slice %arg15[%dma_wait3A_547] : memref<5x!tpu.dma_semaphore, #tpu.memory_space<semaphore_mem>> -> memref<1x!tpu.dma_semaphore, #tpu.memory_space<semaphore_mem>>
          %dma_wait3A_555 = tpu.memref_squeeze %dma_wait3A_554 : memref<1x!tpu.dma_semaphore, #tpu.memory_space<semaphore_mem>> -> memref<!tpu.dma_semaphore, #tpu.memory_space<semaphore_mem>>
          tpu.wait_indirect_dma semaphore(%dma_wait3A_555 : memref<!tpu.dma_semaphore, #tpu.memory_space<semaphore_mem>>) src(%arg11 : memref<40x16xf32, #tpu.memory_space<vmem>>) dst(%dma_wait3A_553 : memref<10000x16xf32, #tpu.memory_space<vmem_shared>>)
        } else {
        }
        %dma_start3A_310 = arith.constant 1 : i32
        %dma_start3A_311 = arith.constant 0 : i32
        %dma_start3A_312 = tpu.memref_slice %arg9[%add3A_272, %dma_start3A_311] : memref<125x40xi32, #tpu.memory_space<vmem>> -> memref<1x40xi32, #tpu.memory_space<vmem>>
        %dma_start3A_313 = tpu.memref_squeeze %dma_start3A_312 : memref<1x40xi32, #tpu.memory_space<vmem>> -> memref<40xi32, #tpu.memory_space<vmem>>
        %dma_start3A_314 = arith.constant 0 : i32
        %dma_start3A_315 = arith.constant 0 : i32
        %dma_start3A_316 = tpu.memref_slice %arg7[%dma_start3A_314, %dma_start3A_315] : memref<10000x16xf32, #tpu.memory_space<vmem_shared>> -> memref<10000x16xf32, #tpu.memory_space<vmem_shared>>
        %dma_start3A_317 = tpu.memref_slice %arg15[%dma_start3A_310] : memref<5x!tpu.dma_semaphore, #tpu.memory_space<semaphore_mem>> -> memref<1x!tpu.dma_semaphore, #tpu.memory_space<semaphore_mem>>
        %dma_start3A_318 = tpu.memref_squeeze %dma_start3A_317 : memref<1x!tpu.dma_semaphore, #tpu.memory_space<semaphore_mem>> -> memref<!tpu.dma_semaphore, #tpu.memory_space<semaphore_mem>>
        tpu.enqueue_indirect_dma source(%arg11 : memref<40x16xf32, #tpu.memory_space<vmem>>) target(%dma_start3A_316 : memref<10000x16xf32, #tpu.memory_space<vmem_shared>>) offsets(%dma_start3A_313 : memref<40xi32, #tpu.memory_space<vmem>>) semaphore(%dma_start3A_318 : memref<!tpu.dma_semaphore, #tpu.memory_space<semaphore_mem>>) {add = true}
        %dma_wait3A_319 = arith.constant 1 : i32
        %dma_wait3A_320 = arith.constant 1 : i32
        %dma_wait3A_321 = arith.constant 0 : i32
        %dma_wait3A_322 = arith.constant 0 : i32
        %dma_wait3A_323 = tpu.memref_slice %arg10[%dma_wait3A_319, %dma_wait3A_321, %dma_wait3A_322] : memref<5x40x128xf32, #tpu.memory_space<vmem>> -> memref<1x40x128xf32, #tpu.memory_space<vmem>>
        %dma_wait3A_324 = tpu.memref_squeeze %dma_wait3A_323 : memref<1x40x128xf32, #tpu.memory_space<vmem>> -> memref<40x128xf32, #tpu.memory_space<vmem>>
        %dma_wait3A_325 = arith.constant 0 : i32
        %dma_wait3A_326 = tpu.memref_slice %arg9[%add3A_272, %dma_wait3A_325] : memref<125x40xi32, #tpu.memory_space<vmem>> -> memref<1x40xi32, #tpu.memory_space<vmem>>
        %dma_wait3A_327 = tpu.memref_squeeze %dma_wait3A_326 : memref<1x40xi32, #tpu.memory_space<vmem>> -> memref<40xi32, #tpu.memory_space<vmem>>
        %dma_wait3A_328 = arith.constant 0 : i32
        %dma_wait3A_329 = arith.constant 0 : i32
        %dma_wait3A_330 = tpu.memref_slice %arg6[%dma_wait3A_328, %dma_wait3A_329] : memref<10000x128xf32, #tpu.memory_space<vmem_shared>> -> memref<10000x128xf32, #tpu.memory_space<vmem_shared>>
        %dma_wait3A_331 = tpu.memref_slice %arg14[%dma_wait3A_320] : memref<5x!tpu.dma_semaphore, #tpu.memory_space<semaphore_mem>> -> memref<1x!tpu.dma_semaphore, #tpu.memory_space<semaphore_mem>>
        %dma_wait3A_332 = tpu.memref_squeeze %dma_wait3A_331 : memref<1x!tpu.dma_semaphore, #tpu.memory_space<semaphore_mem>> -> memref<!tpu.dma_semaphore, #tpu.memory_space<semaphore_mem>>
        tpu.wait_indirect_dma semaphore(%dma_wait3A_332 : memref<!tpu.dma_semaphore, #tpu.memory_space<semaphore_mem>>) src(%dma_wait3A_324 : memref<40x128xf32, #tpu.memory_space<vmem>>) dst(%dma_wait3A_330 : memref<10000x128xf32, #tpu.memory_space<vmem_shared>>)
        %add3A_333 = arith.constant 5 : i32
        %add3A_334 = arith.addi %add3A_272, %add3A_333 : i32
        %lt3A_335 = arith.constant 125 : i32
        %lt3A_336 = arith.cmpi slt, %add3A_334, %lt3A_335 : i32
        %convert_element_type3A_337 = arith.extui %lt3A_336 : i1 to i32
        %cond3A_338 = arith.constant 0 : i32
        %cond3A_339 = arith.cmpi ne, %convert_element_type3A_337, %cond3A_338 : i32
        scf.if %cond3A_339 {
          %add3A_547 = arith.constant 5 : i32
          %add3A_548 = arith.addi %add3A_272, %add3A_547 : i32
          %dma_start3A_549 = arith.constant 1 : i32
          %dma_start3A_550 = arith.constant 1 : i32
          %dma_start3A_551 = arith.constant 0 : i32
          %dma_start3A_552 = arith.constant 0 : i32
          %dma_start3A_553 = tpu.memref_slice %arg10[%dma_start3A_549, %dma_start3A_551, %dma_start3A_552] : memref<5x40x128xf32, #tpu.memory_space<vmem>> -> memref<1x40x128xf32, #tpu.memory_space<vmem>>
          %dma_start3A_554 = tpu.memref_squeeze %dma_start3A_553 : memref<1x40x128xf32, #tpu.memory_space<vmem>> -> memref<40x128xf32, #tpu.memory_space<vmem>>
          %dma_start3A_555 = arith.constant 0 : i32
          %dma_start3A_556 = tpu.memref_slice %arg8[%add3A_548, %dma_start3A_555] : memref<125x40xi32, #tpu.memory_space<vmem>> -> memref<1x40xi32, #tpu.memory_space<vmem>>
          %dma_start3A_557 = tpu.memref_squeeze %dma_start3A_556 : memref<1x40xi32, #tpu.memory_space<vmem>> -> memref<40xi32, #tpu.memory_space<vmem>>
          %dma_start3A_558 = arith.constant 0 : i32
          %dma_start3A_559 = arith.constant 0 : i32
          %dma_start3A_560 = tpu.memref_slice %arg2[%dma_start3A_558, %dma_start3A_559] : memref<10000x128xf32, #tpu.memory_space<hbm>> -> memref<10000x128xf32, #tpu.memory_space<hbm>>
          %dma_start3A_561 = tpu.memref_slice %arg13[%dma_start3A_550] : memref<5x!tpu.dma_semaphore, #tpu.memory_space<semaphore_mem>> -> memref<1x!tpu.dma_semaphore, #tpu.memory_space<semaphore_mem>>
          %dma_start3A_562 = tpu.memref_squeeze %dma_start3A_561 : memref<1x!tpu.dma_semaphore, #tpu.memory_space<semaphore_mem>> -> memref<!tpu.dma_semaphore, #tpu.memory_space<semaphore_mem>>
          tpu.enqueue_indirect_dma source(%dma_start3A_560 : memref<10000x128xf32, #tpu.memory_space<hbm>>) target(%dma_start3A_554 : memref<40x128xf32, #tpu.memory_space<vmem>>) offsets(%dma_start3A_557 : memref<40xi32, #tpu.memory_space<vmem>>) semaphore(%dma_start3A_562 : memref<!tpu.dma_semaphore, #tpu.memory_space<semaphore_mem>>)
        } else {
        }
        %add3A_340 = arith.constant 2 : i32
        %add3A_341 = arith.addi %add3A_206, %add3A_340 : i32
        %dma_wait3A_342 = arith.constant 2 : i32
        %dma_wait3A_343 = arith.constant 2 : i32
        %dma_wait3A_344 = arith.constant 2 : i32
        %dma_wait3A_345 = arith.constant 0 : i32
        %dma_wait3A_346 = arith.constant 0 : i32
        %dma_wait3A_347 = tpu.memref_slice %arg10[%dma_wait3A_343, %dma_wait3A_345, %dma_wait3A_346] : memref<5x40x128xf32, #tpu.memory_space<vmem>> -> memref<1x40x128xf32, #tpu.memory_space<vmem>>
        %dma_wait3A_348 = tpu.memref_squeeze %dma_wait3A_347 : memref<1x40x128xf32, #tpu.memory_space<vmem>> -> memref<40x128xf32, #tpu.memory_space<vmem>>
        %dma_wait3A_349 = arith.constant 0 : i32
        %dma_wait3A_350 = tpu.memref_slice %arg8[%dma_wait3A_342, %dma_wait3A_349] : memref<125x40xi32, #tpu.memory_space<vmem>> -> memref<1x40xi32, #tpu.memory_space<vmem>>
        %dma_wait3A_351 = tpu.memref_squeeze %dma_wait3A_350 : memref<1x40xi32, #tpu.memory_space<vmem>> -> memref<40xi32, #tpu.memory_space<vmem>>
        %dma_wait3A_352 = arith.constant 0 : i32
        %dma_wait3A_353 = arith.constant 0 : i32
        %dma_wait3A_354 = tpu.memref_slice %arg2[%dma_wait3A_352, %dma_wait3A_353] : memref<10000x128xf32, #tpu.memory_space<hbm>> -> memref<10000x128xf32, #tpu.memory_space<hbm>>
        %dma_wait3A_355 = tpu.memref_slice %arg13[%dma_wait3A_344] : memref<5x!tpu.dma_semaphore, #tpu.memory_space<semaphore_mem>> -> memref<1x!tpu.dma_semaphore, #tpu.memory_space<semaphore_mem>>
        %dma_wait3A_356 = tpu.memref_squeeze %dma_wait3A_355 : memref<1x!tpu.dma_semaphore, #tpu.memory_space<semaphore_mem>> -> memref<!tpu.dma_semaphore, #tpu.memory_space<semaphore_mem>>
        tpu.wait_indirect_dma semaphore(%dma_wait3A_356 : memref<!tpu.dma_semaphore, #tpu.memory_space<semaphore_mem>>) src(%dma_wait3A_354 : memref<10000x128xf32, #tpu.memory_space<hbm>>) dst(%dma_wait3A_348 : memref<40x128xf32, #tpu.memory_space<vmem>>)
        %dma_start3A_357 = arith.constant 2 : i32
        %dma_start3A_358 = arith.constant 2 : i32
        %dma_start3A_359 = arith.constant 0 : i32
        %dma_start3A_360 = arith.constant 0 : i32
        %dma_start3A_361 = tpu.memref_slice %arg10[%dma_start3A_357, %dma_start3A_359, %dma_start3A_360] : memref<5x40x128xf32, #tpu.memory_space<vmem>> -> memref<1x40x128xf32, #tpu.memory_space<vmem>>
        %dma_start3A_362 = tpu.memref_squeeze %dma_start3A_361 : memref<1x40x128xf32, #tpu.memory_space<vmem>> -> memref<40x128xf32, #tpu.memory_space<vmem>>
        %dma_start3A_363 = arith.constant 0 : i32
        %dma_start3A_364 = tpu.memref_slice %arg9[%add3A_341, %dma_start3A_363] : memref<125x40xi32, #tpu.memory_space<vmem>> -> memref<1x40xi32, #tpu.memory_space<vmem>>
        %dma_start3A_365 = tpu.memref_squeeze %dma_start3A_364 : memref<1x40xi32, #tpu.memory_space<vmem>> -> memref<40xi32, #tpu.memory_space<vmem>>
        %dma_start3A_366 = arith.constant 0 : i32
        %dma_start3A_367 = arith.constant 0 : i32
        %dma_start3A_368 = tpu.memref_slice %arg6[%dma_start3A_366, %dma_start3A_367] : memref<10000x128xf32, #tpu.memory_space<vmem_shared>> -> memref<10000x128xf32, #tpu.memory_space<vmem_shared>>
        %dma_start3A_369 = tpu.memref_slice %arg14[%dma_start3A_358] : memref<5x!tpu.dma_semaphore, #tpu.memory_space<semaphore_mem>> -> memref<1x!tpu.dma_semaphore, #tpu.memory_space<semaphore_mem>>
        %dma_start3A_370 = tpu.memref_squeeze %dma_start3A_369 : memref<1x!tpu.dma_semaphore, #tpu.memory_space<semaphore_mem>> -> memref<!tpu.dma_semaphore, #tpu.memory_space<semaphore_mem>>
        tpu.enqueue_indirect_dma source(%dma_start3A_362 : memref<40x128xf32, #tpu.memory_space<vmem>>) target(%dma_start3A_368 : memref<10000x128xf32, #tpu.memory_space<vmem_shared>>) offsets(%dma_start3A_365 : memref<40xi32, #tpu.memory_space<vmem>>) semaphore(%dma_start3A_370 : memref<!tpu.dma_semaphore, #tpu.memory_space<semaphore_mem>>) {add = true}
        %gt3A_371 = arith.constant 0 : i32
        %gt3A_372 = arith.cmpi sgt, %add3A_114, %gt3A_371 : i32
        %gt3A_373 = arith.constant 0 : i32
        %gt3A_374 = arith.cmpi sgt, %add3A_206, %gt3A_373 : i32
        %or3A_375 = arith.ori %gt3A_372, %gt3A_374 : i1
        %convert_element_type3A_376 = arith.extui %or3A_375 : i1 to i32
        %cond3A_377 = arith.constant 0 : i32
        %cond3A_378 = arith.cmpi ne, %convert_element_type3A_376, %cond3A_377 : i32
        scf.if %cond3A_378 {
          %dma_wait3A_547 = arith.constant 2 : i32
          %dma_wait3A_548 = arith.constant 0 : i32
          %dma_wait3A_549 = tpu.memref_slice %arg9[%add3A_341, %dma_wait3A_548] : memref<125x40xi32, #tpu.memory_space<vmem>> -> memref<1x40xi32, #tpu.memory_space<vmem>>
          %dma_wait3A_550 = tpu.memref_squeeze %dma_wait3A_549 : memref<1x40xi32, #tpu.memory_space<vmem>> -> memref<40xi32, #tpu.memory_space<vmem>>
          %dma_wait3A_551 = arith.constant 0 : i32
          %dma_wait3A_552 = arith.constant 0 : i32
          %dma_wait3A_553 = tpu.memref_slice %arg7[%dma_wait3A_551, %dma_wait3A_552] : memref<10000x16xf32, #tpu.memory_space<vmem_shared>> -> memref<10000x16xf32, #tpu.memory_space<vmem_shared>>
          %dma_wait3A_554 = tpu.memref_slice %arg15[%dma_wait3A_547] : memref<5x!tpu.dma_semaphore, #tpu.memory_space<semaphore_mem>> -> memref<1x!tpu.dma_semaphore, #tpu.memory_space<semaphore_mem>>
          %dma_wait3A_555 = tpu.memref_squeeze %dma_wait3A_554 : memref<1x!tpu.dma_semaphore, #tpu.memory_space<semaphore_mem>> -> memref<!tpu.dma_semaphore, #tpu.memory_space<semaphore_mem>>
          tpu.wait_indirect_dma semaphore(%dma_wait3A_555 : memref<!tpu.dma_semaphore, #tpu.memory_space<semaphore_mem>>) src(%arg11 : memref<40x16xf32, #tpu.memory_space<vmem>>) dst(%dma_wait3A_553 : memref<10000x16xf32, #tpu.memory_space<vmem_shared>>)
        } else {
        }
        %dma_start3A_379 = arith.constant 2 : i32
        %dma_start3A_380 = arith.constant 0 : i32
        %dma_start3A_381 = tpu.memref_slice %arg9[%add3A_341, %dma_start3A_380] : memref<125x40xi32, #tpu.memory_space<vmem>> -> memref<1x40xi32, #tpu.memory_space<vmem>>
        %dma_start3A_382 = tpu.memref_squeeze %dma_start3A_381 : memref<1x40xi32, #tpu.memory_space<vmem>> -> memref<40xi32, #tpu.memory_space<vmem>>
        %dma_start3A_383 = arith.constant 0 : i32
        %dma_start3A_384 = arith.constant 0 : i32
        %dma_start3A_385 = tpu.memref_slice %arg7[%dma_start3A_383, %dma_start3A_384] : memref<10000x16xf32, #tpu.memory_space<vmem_shared>> -> memref<10000x16xf32, #tpu.memory_space<vmem_shared>>
        %dma_start3A_386 = tpu.memref_slice %arg15[%dma_start3A_379] : memref<5x!tpu.dma_semaphore, #tpu.memory_space<semaphore_mem>> -> memref<1x!tpu.dma_semaphore, #tpu.memory_space<semaphore_mem>>
        %dma_start3A_387 = tpu.memref_squeeze %dma_start3A_386 : memref<1x!tpu.dma_semaphore, #tpu.memory_space<semaphore_mem>> -> memref<!tpu.dma_semaphore, #tpu.memory_space<semaphore_mem>>
        tpu.enqueue_indirect_dma source(%arg11 : memref<40x16xf32, #tpu.memory_space<vmem>>) target(%dma_start3A_385 : memref<10000x16xf32, #tpu.memory_space<vmem_shared>>) offsets(%dma_start3A_382 : memref<40xi32, #tpu.memory_space<vmem>>) semaphore(%dma_start3A_387 : memref<!tpu.dma_semaphore, #tpu.memory_space<semaphore_mem>>) {add = true}
        %dma_wait3A_388 = arith.constant 2 : i32
        %dma_wait3A_389 = arith.constant 2 : i32
        %dma_wait3A_390 = arith.constant 0 : i32
        %dma_wait3A_391 = arith.constant 0 : i32
        %dma_wait3A_392 = tpu.memref_slice %arg10[%dma_wait3A_388, %dma_wait3A_390, %dma_wait3A_391] : memref<5x40x128xf32, #tpu.memory_space<vmem>> -> memref<1x40x128xf32, #tpu.memory_space<vmem>>
        %dma_wait3A_393 = tpu.memref_squeeze %dma_wait3A_392 : memref<1x40x128xf32, #tpu.memory_space<vmem>> -> memref<40x128xf32, #tpu.memory_space<vmem>>
        %dma_wait3A_394 = arith.constant 0 : i32
        %dma_wait3A_395 = tpu.memref_slice %arg9[%add3A_341, %dma_wait3A_394] : memref<125x40xi32, #tpu.memory_space<vmem>> -> memref<1x40xi32, #tpu.memory_space<vmem>>
        %dma_wait3A_396 = tpu.memref_squeeze %dma_wait3A_395 : memref<1x40xi32, #tpu.memory_space<vmem>> -> memref<40xi32, #tpu.memory_space<vmem>>
        %dma_wait3A_397 = arith.constant 0 : i32
        %dma_wait3A_398 = arith.constant 0 : i32
        %dma_wait3A_399 = tpu.memref_slice %arg6[%dma_wait3A_397, %dma_wait3A_398] : memref<10000x128xf32, #tpu.memory_space<vmem_shared>> -> memref<10000x128xf32, #tpu.memory_space<vmem_shared>>
        %dma_wait3A_400 = tpu.memref_slice %arg14[%dma_wait3A_389] : memref<5x!tpu.dma_semaphore, #tpu.memory_space<semaphore_mem>> -> memref<1x!tpu.dma_semaphore, #tpu.memory_space<semaphore_mem>>
        %dma_wait3A_401 = tpu.memref_squeeze %dma_wait3A_400 : memref<1x!tpu.dma_semaphore, #tpu.memory_space<semaphore_mem>> -> memref<!tpu.dma_semaphore, #tpu.memory_space<semaphore_mem>>
        tpu.wait_indirect_dma semaphore(%dma_wait3A_401 : memref<!tpu.dma_semaphore, #tpu.memory_space<semaphore_mem>>) src(%dma_wait3A_393 : memref<40x128xf32, #tpu.memory_space<vmem>>) dst(%dma_wait3A_399 : memref<10000x128xf32, #tpu.memory_space<vmem_shared>>)
        %add3A_402 = arith.constant 5 : i32
        %add3A_403 = arith.addi %add3A_341, %add3A_402 : i32
        %lt3A_404 = arith.constant 125 : i32
        %lt3A_405 = arith.cmpi slt, %add3A_403, %lt3A_404 : i32
        %convert_element_type3A_406 = arith.extui %lt3A_405 : i1 to i32
        %cond3A_407 = arith.constant 0 : i32
        %cond3A_408 = arith.cmpi ne, %convert_element_type3A_406, %cond3A_407 : i32
        scf.if %cond3A_408 {
          %add3A_547 = arith.constant 5 : i32
          %add3A_548 = arith.addi %add3A_341, %add3A_547 : i32
          %dma_start3A_549 = arith.constant 2 : i32
          %dma_start3A_550 = arith.constant 2 : i32
          %dma_start3A_551 = arith.constant 0 : i32
          %dma_start3A_552 = arith.constant 0 : i32
          %dma_start3A_553 = tpu.memref_slice %arg10[%dma_start3A_549, %dma_start3A_551, %dma_start3A_552] : memref<5x40x128xf32, #tpu.memory_space<vmem>> -> memref<1x40x128xf32, #tpu.memory_space<vmem>>
          %dma_start3A_554 = tpu.memref_squeeze %dma_start3A_553 : memref<1x40x128xf32, #tpu.memory_space<vmem>> -> memref<40x128xf32, #tpu.memory_space<vmem>>
          %dma_start3A_555 = arith.constant 0 : i32
          %dma_start3A_556 = tpu.memref_slice %arg8[%add3A_548, %dma_start3A_555] : memref<125x40xi32, #tpu.memory_space<vmem>> -> memref<1x40xi32, #tpu.memory_space<vmem>>
          %dma_start3A_557 = tpu.memref_squeeze %dma_start3A_556 : memref<1x40xi32, #tpu.memory_space<vmem>> -> memref<40xi32, #tpu.memory_space<vmem>>
          %dma_start3A_558 = arith.constant 0 : i32
          %dma_start3A_559 = arith.constant 0 : i32
          %dma_start3A_560 = tpu.memref_slice %arg2[%dma_start3A_558, %dma_start3A_559] : memref<10000x128xf32, #tpu.memory_space<hbm>> -> memref<10000x128xf32, #tpu.memory_space<hbm>>
          %dma_start3A_561 = tpu.memref_slice %arg13[%dma_start3A_550] : memref<5x!tpu.dma_semaphore, #tpu.memory_space<semaphore_mem>> -> memref<1x!tpu.dma_semaphore, #tpu.memory_space<semaphore_mem>>
          %dma_start3A_562 = tpu.memref_squeeze %dma_start3A_561 : memref<1x!tpu.dma_semaphore, #tpu.memory_space<semaphore_mem>> -> memref<!tpu.dma_semaphore, #tpu.memory_space<semaphore_mem>>
          tpu.enqueue_indirect_dma source(%dma_start3A_560 : memref<10000x128xf32, #tpu.memory_space<hbm>>) target(%dma_start3A_554 : memref<40x128xf32, #tpu.memory_space<vmem>>) offsets(%dma_start3A_557 : memref<40xi32, #tpu.memory_space<vmem>>) semaphore(%dma_start3A_562 : memref<!tpu.dma_semaphore, #tpu.memory_space<semaphore_mem>>)
        } else {
        }
        %add3A_409 = arith.constant 3 : i32
        %add3A_410 = arith.addi %add3A_206, %add3A_409 : i32
        %dma_wait3A_411 = arith.constant 3 : i32
        %dma_wait3A_412 = arith.constant 3 : i32
        %dma_wait3A_413 = arith.constant 3 : i32
        %dma_wait3A_414 = arith.constant 0 : i32
        %dma_wait3A_415 = arith.constant 0 : i32
        %dma_wait3A_416 = tpu.memref_slice %arg10[%dma_wait3A_412, %dma_wait3A_414, %dma_wait3A_415] : memref<5x40x128xf32, #tpu.memory_space<vmem>> -> memref<1x40x128xf32, #tpu.memory_space<vmem>>
        %dma_wait3A_417 = tpu.memref_squeeze %dma_wait3A_416 : memref<1x40x128xf32, #tpu.memory_space<vmem>> -> memref<40x128xf32, #tpu.memory_space<vmem>>
        %dma_wait3A_418 = arith.constant 0 : i32
        %dma_wait3A_419 = tpu.memref_slice %arg8[%dma_wait3A_411, %dma_wait3A_418] : memref<125x40xi32, #tpu.memory_space<vmem>> -> memref<1x40xi32, #tpu.memory_space<vmem>>
        %dma_wait3A_420 = tpu.memref_squeeze %dma_wait3A_419 : memref<1x40xi32, #tpu.memory_space<vmem>> -> memref<40xi32, #tpu.memory_space<vmem>>
        %dma_wait3A_421 = arith.constant 0 : i32
        %dma_wait3A_422 = arith.constant 0 : i32
        %dma_wait3A_423 = tpu.memref_slice %arg2[%dma_wait3A_421, %dma_wait3A_422] : memref<10000x128xf32, #tpu.memory_space<hbm>> -> memref<10000x128xf32, #tpu.memory_space<hbm>>
        %dma_wait3A_424 = tpu.memref_slice %arg13[%dma_wait3A_413] : memref<5x!tpu.dma_semaphore, #tpu.memory_space<semaphore_mem>> -> memref<1x!tpu.dma_semaphore, #tpu.memory_space<semaphore_mem>>
        %dma_wait3A_425 = tpu.memref_squeeze %dma_wait3A_424 : memref<1x!tpu.dma_semaphore, #tpu.memory_space<semaphore_mem>> -> memref<!tpu.dma_semaphore, #tpu.memory_space<semaphore_mem>>
        tpu.wait_indirect_dma semaphore(%dma_wait3A_425 : memref<!tpu.dma_semaphore, #tpu.memory_space<semaphore_mem>>) src(%dma_wait3A_423 : memref<10000x128xf32, #tpu.memory_space<hbm>>) dst(%dma_wait3A_417 : memref<40x128xf32, #tpu.memory_space<vmem>>)
        %dma_start3A_426 = arith.constant 3 : i32
        %dma_start3A_427 = arith.constant 3 : i32
        %dma_start3A_428 = arith.constant 0 : i32
        %dma_start3A_429 = arith.constant 0 : i32
        %dma_start3A_430 = tpu.memref_slice %arg10[%dma_start3A_426, %dma_start3A_428, %dma_start3A_429] : memref<5x40x128xf32, #tpu.memory_space<vmem>> -> memref<1x40x128xf32, #tpu.memory_space<vmem>>
        %dma_start3A_431 = tpu.memref_squeeze %dma_start3A_430 : memref<1x40x128xf32, #tpu.memory_space<vmem>> -> memref<40x128xf32, #tpu.memory_space<vmem>>
        %dma_start3A_432 = arith.constant 0 : i32
        %dma_start3A_433 = tpu.memref_slice %arg9[%add3A_410, %dma_start3A_432] : memref<125x40xi32, #tpu.memory_space<vmem>> -> memref<1x40xi32, #tpu.memory_space<vmem>>
        %dma_start3A_434 = tpu.memref_squeeze %dma_start3A_433 : memref<1x40xi32, #tpu.memory_space<vmem>> -> memref<40xi32, #tpu.memory_space<vmem>>
        %dma_start3A_435 = arith.constant 0 : i32
        %dma_start3A_436 = arith.constant 0 : i32
        %dma_start3A_437 = tpu.memref_slice %arg6[%dma_start3A_435, %dma_start3A_436] : memref<10000x128xf32, #tpu.memory_space<vmem_shared>> -> memref<10000x128xf32, #tpu.memory_space<vmem_shared>>
        %dma_start3A_438 = tpu.memref_slice %arg14[%dma_start3A_427] : memref<5x!tpu.dma_semaphore, #tpu.memory_space<semaphore_mem>> -> memref<1x!tpu.dma_semaphore, #tpu.memory_space<semaphore_mem>>
        %dma_start3A_439 = tpu.memref_squeeze %dma_start3A_438 : memref<1x!tpu.dma_semaphore, #tpu.memory_space<semaphore_mem>> -> memref<!tpu.dma_semaphore, #tpu.memory_space<semaphore_mem>>
        tpu.enqueue_indirect_dma source(%dma_start3A_431 : memref<40x128xf32, #tpu.memory_space<vmem>>) target(%dma_start3A_437 : memref<10000x128xf32, #tpu.memory_space<vmem_shared>>) offsets(%dma_start3A_434 : memref<40xi32, #tpu.memory_space<vmem>>) semaphore(%dma_start3A_439 : memref<!tpu.dma_semaphore, #tpu.memory_space<semaphore_mem>>) {add = true}
        %gt3A_440 = arith.constant 0 : i32
        %gt3A_441 = arith.cmpi sgt, %add3A_114, %gt3A_440 : i32
        %gt3A_442 = arith.constant 0 : i32
        %gt3A_443 = arith.cmpi sgt, %add3A_206, %gt3A_442 : i32
        %or3A_444 = arith.ori %gt3A_441, %gt3A_443 : i1
        %convert_element_type3A_445 = arith.extui %or3A_444 : i1 to i32
        %cond3A_446 = arith.constant 0 : i32
        %cond3A_447 = arith.cmpi ne, %convert_element_type3A_445, %cond3A_446 : i32
        scf.if %cond3A_447 {
          %dma_wait3A_547 = arith.constant 3 : i32
          %dma_wait3A_548 = arith.constant 0 : i32
          %dma_wait3A_549 = tpu.memref_slice %arg9[%add3A_410, %dma_wait3A_548] : memref<125x40xi32, #tpu.memory_space<vmem>> -> memref<1x40xi32, #tpu.memory_space<vmem>>
          %dma_wait3A_550 = tpu.memref_squeeze %dma_wait3A_549 : memref<1x40xi32, #tpu.memory_space<vmem>> -> memref<40xi32, #tpu.memory_space<vmem>>
          %dma_wait3A_551 = arith.constant 0 : i32
          %dma_wait3A_552 = arith.constant 0 : i32
          %dma_wait3A_553 = tpu.memref_slice %arg7[%dma_wait3A_551, %dma_wait3A_552] : memref<10000x16xf32, #tpu.memory_space<vmem_shared>> -> memref<10000x16xf32, #tpu.memory_space<vmem_shared>>
          %dma_wait3A_554 = tpu.memref_slice %arg15[%dma_wait3A_547] : memref<5x!tpu.dma_semaphore, #tpu.memory_space<semaphore_mem>> -> memref<1x!tpu.dma_semaphore, #tpu.memory_space<semaphore_mem>>
          %dma_wait3A_555 = tpu.memref_squeeze %dma_wait3A_554 : memref<1x!tpu.dma_semaphore, #tpu.memory_space<semaphore_mem>> -> memref<!tpu.dma_semaphore, #tpu.memory_space<semaphore_mem>>
          tpu.wait_indirect_dma semaphore(%dma_wait3A_555 : memref<!tpu.dma_semaphore, #tpu.memory_space<semaphore_mem>>) src(%arg11 : memref<40x16xf32, #tpu.memory_space<vmem>>) dst(%dma_wait3A_553 : memref<10000x16xf32, #tpu.memory_space<vmem_shared>>)
        } else {
        }
        %dma_start3A_448 = arith.constant 3 : i32
        %dma_start3A_449 = arith.constant 0 : i32
        %dma_start3A_450 = tpu.memref_slice %arg9[%add3A_410, %dma_start3A_449] : memref<125x40xi32, #tpu.memory_space<vmem>> -> memref<1x40xi32, #tpu.memory_space<vmem>>
        %dma_start3A_451 = tpu.memref_squeeze %dma_start3A_450 : memref<1x40xi32, #tpu.memory_space<vmem>> -> memref<40xi32, #tpu.memory_space<vmem>>
        %dma_start3A_452 = arith.constant 0 : i32
        %dma_start3A_453 = arith.constant 0 : i32
        %dma_start3A_454 = tpu.memref_slice %arg7[%dma_start3A_452, %dma_start3A_453] : memref<10000x16xf32, #tpu.memory_space<vmem_shared>> -> memref<10000x16xf32, #tpu.memory_space<vmem_shared>>
        %dma_start3A_455 = tpu.memref_slice %arg15[%dma_start3A_448] : memref<5x!tpu.dma_semaphore, #tpu.memory_space<semaphore_mem>> -> memref<1x!tpu.dma_semaphore, #tpu.memory_space<semaphore_mem>>
        %dma_start3A_456 = tpu.memref_squeeze %dma_start3A_455 : memref<1x!tpu.dma_semaphore, #tpu.memory_space<semaphore_mem>> -> memref<!tpu.dma_semaphore, #tpu.memory_space<semaphore_mem>>
        tpu.enqueue_indirect_dma source(%arg11 : memref<40x16xf32, #tpu.memory_space<vmem>>) target(%dma_start3A_454 : memref<10000x16xf32, #tpu.memory_space<vmem_shared>>) offsets(%dma_start3A_451 : memref<40xi32, #tpu.memory_space<vmem>>) semaphore(%dma_start3A_456 : memref<!tpu.dma_semaphore, #tpu.memory_space<semaphore_mem>>) {add = true}
        %dma_wait3A_457 = arith.constant 3 : i32
        %dma_wait3A_458 = arith.constant 3 : i32
        %dma_wait3A_459 = arith.constant 0 : i32
        %dma_wait3A_460 = arith.constant 0 : i32
        %dma_wait3A_461 = tpu.memref_slice %arg10[%dma_wait3A_457, %dma_wait3A_459, %dma_wait3A_460] : memref<5x40x128xf32, #tpu.memory_space<vmem>> -> memref<1x40x128xf32, #tpu.memory_space<vmem>>
        %dma_wait3A_462 = tpu.memref_squeeze %dma_wait3A_461 : memref<1x40x128xf32, #tpu.memory_space<vmem>> -> memref<40x128xf32, #tpu.memory_space<vmem>>
        %dma_wait3A_463 = arith.constant 0 : i32
        %dma_wait3A_464 = tpu.memref_slice %arg9[%add3A_410, %dma_wait3A_463] : memref<125x40xi32, #tpu.memory_space<vmem>> -> memref<1x40xi32, #tpu.memory_space<vmem>>
        %dma_wait3A_465 = tpu.memref_squeeze %dma_wait3A_464 : memref<1x40xi32, #tpu.memory_space<vmem>> -> memref<40xi32, #tpu.memory_space<vmem>>
        %dma_wait3A_466 = arith.constant 0 : i32
        %dma_wait3A_467 = arith.constant 0 : i32
        %dma_wait3A_468 = tpu.memref_slice %arg6[%dma_wait3A_466, %dma_wait3A_467] : memref<10000x128xf32, #tpu.memory_space<vmem_shared>> -> memref<10000x128xf32, #tpu.memory_space<vmem_shared>>
        %dma_wait3A_469 = tpu.memref_slice %arg14[%dma_wait3A_458] : memref<5x!tpu.dma_semaphore, #tpu.memory_space<semaphore_mem>> -> memref<1x!tpu.dma_semaphore, #tpu.memory_space<semaphore_mem>>
        %dma_wait3A_470 = tpu.memref_squeeze %dma_wait3A_469 : memref<1x!tpu.dma_semaphore, #tpu.memory_space<semaphore_mem>> -> memref<!tpu.dma_semaphore, #tpu.memory_space<semaphore_mem>>
        tpu.wait_indirect_dma semaphore(%dma_wait3A_470 : memref<!tpu.dma_semaphore, #tpu.memory_space<semaphore_mem>>) src(%dma_wait3A_462 : memref<40x128xf32, #tpu.memory_space<vmem>>) dst(%dma_wait3A_468 : memref<10000x128xf32, #tpu.memory_space<vmem_shared>>)
        %add3A_471 = arith.constant 5 : i32
        %add3A_472 = arith.addi %add3A_410, %add3A_471 : i32
        %lt3A_473 = arith.constant 125 : i32
        %lt3A_474 = arith.cmpi slt, %add3A_472, %lt3A_473 : i32
        %convert_element_type3A_475 = arith.extui %lt3A_474 : i1 to i32
        %cond3A_476 = arith.constant 0 : i32
        %cond3A_477 = arith.cmpi ne, %convert_element_type3A_475, %cond3A_476 : i32
        scf.if %cond3A_477 {
          %add3A_547 = arith.constant 5 : i32
          %add3A_548 = arith.addi %add3A_410, %add3A_547 : i32
          %dma_start3A_549 = arith.constant 3 : i32
          %dma_start3A_550 = arith.constant 3 : i32
          %dma_start3A_551 = arith.constant 0 : i32
          %dma_start3A_552 = arith.constant 0 : i32
          %dma_start3A_553 = tpu.memref_slice %arg10[%dma_start3A_549, %dma_start3A_551, %dma_start3A_552] : memref<5x40x128xf32, #tpu.memory_space<vmem>> -> memref<1x40x128xf32, #tpu.memory_space<vmem>>
          %dma_start3A_554 = tpu.memref_squeeze %dma_start3A_553 : memref<1x40x128xf32, #tpu.memory_space<vmem>> -> memref<40x128xf32, #tpu.memory_space<vmem>>
          %dma_start3A_555 = arith.constant 0 : i32
          %dma_start3A_556 = tpu.memref_slice %arg8[%add3A_548, %dma_start3A_555] : memref<125x40xi32, #tpu.memory_space<vmem>> -> memref<1x40xi32, #tpu.memory_space<vmem>>
          %dma_start3A_557 = tpu.memref_squeeze %dma_start3A_556 : memref<1x40xi32, #tpu.memory_space<vmem>> -> memref<40xi32, #tpu.memory_space<vmem>>
          %dma_start3A_558 = arith.constant 0 : i32
          %dma_start3A_559 = arith.constant 0 : i32
          %dma_start3A_560 = tpu.memref_slice %arg2[%dma_start3A_558, %dma_start3A_559] : memref<10000x128xf32, #tpu.memory_space<hbm>> -> memref<10000x128xf32, #tpu.memory_space<hbm>>
          %dma_start3A_561 = tpu.memref_slice %arg13[%dma_start3A_550] : memref<5x!tpu.dma_semaphore, #tpu.memory_space<semaphore_mem>> -> memref<1x!tpu.dma_semaphore, #tpu.memory_space<semaphore_mem>>
          %dma_start3A_562 = tpu.memref_squeeze %dma_start3A_561 : memref<1x!tpu.dma_semaphore, #tpu.memory_space<semaphore_mem>> -> memref<!tpu.dma_semaphore, #tpu.memory_space<semaphore_mem>>
          tpu.enqueue_indirect_dma source(%dma_start3A_560 : memref<10000x128xf32, #tpu.memory_space<hbm>>) target(%dma_start3A_554 : memref<40x128xf32, #tpu.memory_space<vmem>>) offsets(%dma_start3A_557 : memref<40xi32, #tpu.memory_space<vmem>>) semaphore(%dma_start3A_562 : memref<!tpu.dma_semaphore, #tpu.memory_space<semaphore_mem>>)
        } else {
        }
        %add3A_478 = arith.constant 4 : i32
        %add3A_479 = arith.addi %add3A_206, %add3A_478 : i32
        %dma_wait3A_480 = arith.constant 4 : i32
        %dma_wait3A_481 = arith.constant 4 : i32
        %dma_wait3A_482 = arith.constant 4 : i32
        %dma_wait3A_483 = arith.constant 0 : i32
        %dma_wait3A_484 = arith.constant 0 : i32
        %dma_wait3A_485 = tpu.memref_slice %arg10[%dma_wait3A_481, %dma_wait3A_483, %dma_wait3A_484] : memref<5x40x128xf32, #tpu.memory_space<vmem>> -> memref<1x40x128xf32, #tpu.memory_space<vmem>>
        %dma_wait3A_486 = tpu.memref_squeeze %dma_wait3A_485 : memref<1x40x128xf32, #tpu.memory_space<vmem>> -> memref<40x128xf32, #tpu.memory_space<vmem>>
        %dma_wait3A_487 = arith.constant 0 : i32
        %dma_wait3A_488 = tpu.memref_slice %arg8[%dma_wait3A_480, %dma_wait3A_487] : memref<125x40xi32, #tpu.memory_space<vmem>> -> memref<1x40xi32, #tpu.memory_space<vmem>>
        %dma_wait3A_489 = tpu.memref_squeeze %dma_wait3A_488 : memref<1x40xi32, #tpu.memory_space<vmem>> -> memref<40xi32, #tpu.memory_space<vmem>>
        %dma_wait3A_490 = arith.constant 0 : i32
        %dma_wait3A_491 = arith.constant 0 : i32
        %dma_wait3A_492 = tpu.memref_slice %arg2[%dma_wait3A_490, %dma_wait3A_491] : memref<10000x128xf32, #tpu.memory_space<hbm>> -> memref<10000x128xf32, #tpu.memory_space<hbm>>
        %dma_wait3A_493 = tpu.memref_slice %arg13[%dma_wait3A_482] : memref<5x!tpu.dma_semaphore, #tpu.memory_space<semaphore_mem>> -> memref<1x!tpu.dma_semaphore, #tpu.memory_space<semaphore_mem>>
        %dma_wait3A_494 = tpu.memref_squeeze %dma_wait3A_493 : memref<1x!tpu.dma_semaphore, #tpu.memory_space<semaphore_mem>> -> memref<!tpu.dma_semaphore, #tpu.memory_space<semaphore_mem>>
        tpu.wait_indirect_dma semaphore(%dma_wait3A_494 : memref<!tpu.dma_semaphore, #tpu.memory_space<semaphore_mem>>) src(%dma_wait3A_492 : memref<10000x128xf32, #tpu.memory_space<hbm>>) dst(%dma_wait3A_486 : memref<40x128xf32, #tpu.memory_space<vmem>>)
        %dma_start3A_495 = arith.constant 4 : i32
        %dma_start3A_496 = arith.constant 4 : i32
        %dma_start3A_497 = arith.constant 0 : i32
        %dma_start3A_498 = arith.constant 0 : i32
        %dma_start3A_499 = tpu.memref_slice %arg10[%dma_start3A_495, %dma_start3A_497, %dma_start3A_498] : memref<5x40x128xf32, #tpu.memory_space<vmem>> -> memref<1x40x128xf32, #tpu.memory_space<vmem>>
        %dma_start3A_500 = tpu.memref_squeeze %dma_start3A_499 : memref<1x40x128xf32, #tpu.memory_space<vmem>> -> memref<40x128xf32, #tpu.memory_space<vmem>>
        %dma_start3A_501 = arith.constant 0 : i32
        %dma_start3A_502 = tpu.memref_slice %arg9[%add3A_479, %dma_start3A_501] : memref<125x40xi32, #tpu.memory_space<vmem>> -> memref<1x40xi32, #tpu.memory_space<vmem>>
        %dma_start3A_503 = tpu.memref_squeeze %dma_start3A_502 : memref<1x40xi32, #tpu.memory_space<vmem>> -> memref<40xi32, #tpu.memory_space<vmem>>
        %dma_start3A_504 = arith.constant 0 : i32
        %dma_start3A_505 = arith.constant 0 : i32
        %dma_start3A_506 = tpu.memref_slice %arg6[%dma_start3A_504, %dma_start3A_505] : memref<10000x128xf32, #tpu.memory_space<vmem_shared>> -> memref<10000x128xf32, #tpu.memory_space<vmem_shared>>
        %dma_start3A_507 = tpu.memref_slice %arg14[%dma_start3A_496] : memref<5x!tpu.dma_semaphore, #tpu.memory_space<semaphore_mem>> -> memref<1x!tpu.dma_semaphore, #tpu.memory_space<semaphore_mem>>
        %dma_start3A_508 = tpu.memref_squeeze %dma_start3A_507 : memref<1x!tpu.dma_semaphore, #tpu.memory_space<semaphore_mem>> -> memref<!tpu.dma_semaphore, #tpu.memory_space<semaphore_mem>>
        tpu.enqueue_indirect_dma source(%dma_start3A_500 : memref<40x128xf32, #tpu.memory_space<vmem>>) target(%dma_start3A_506 : memref<10000x128xf32, #tpu.memory_space<vmem_shared>>) offsets(%dma_start3A_503 : memref<40xi32, #tpu.memory_space<vmem>>) semaphore(%dma_start3A_508 : memref<!tpu.dma_semaphore, #tpu.memory_space<semaphore_mem>>) {add = true}
        %gt3A_509 = arith.constant 0 : i32
        %gt3A_510 = arith.cmpi sgt, %add3A_114, %gt3A_509 : i32
        %gt3A_511 = arith.constant 0 : i32
        %gt3A_512 = arith.cmpi sgt, %add3A_206, %gt3A_511 : i32
        %or3A_513 = arith.ori %gt3A_510, %gt3A_512 : i1
        %convert_element_type3A_514 = arith.extui %or3A_513 : i1 to i32
        %cond3A_515 = arith.constant 0 : i32
        %cond3A_516 = arith.cmpi ne, %convert_element_type3A_514, %cond3A_515 : i32
        scf.if %cond3A_516 {
          %dma_wait3A_547 = arith.constant 4 : i32
          %dma_wait3A_548 = arith.constant 0 : i32
          %dma_wait3A_549 = tpu.memref_slice %arg9[%add3A_479, %dma_wait3A_548] : memref<125x40xi32, #tpu.memory_space<vmem>> -> memref<1x40xi32, #tpu.memory_space<vmem>>
          %dma_wait3A_550 = tpu.memref_squeeze %dma_wait3A_549 : memref<1x40xi32, #tpu.memory_space<vmem>> -> memref<40xi32, #tpu.memory_space<vmem>>
          %dma_wait3A_551 = arith.constant 0 : i32
          %dma_wait3A_552 = arith.constant 0 : i32
          %dma_wait3A_553 = tpu.memref_slice %arg7[%dma_wait3A_551, %dma_wait3A_552] : memref<10000x16xf32, #tpu.memory_space<vmem_shared>> -> memref<10000x16xf32, #tpu.memory_space<vmem_shared>>
          %dma_wait3A_554 = tpu.memref_slice %arg15[%dma_wait3A_547] : memref<5x!tpu.dma_semaphore, #tpu.memory_space<semaphore_mem>> -> memref<1x!tpu.dma_semaphore, #tpu.memory_space<semaphore_mem>>
          %dma_wait3A_555 = tpu.memref_squeeze %dma_wait3A_554 : memref<1x!tpu.dma_semaphore, #tpu.memory_space<semaphore_mem>> -> memref<!tpu.dma_semaphore, #tpu.memory_space<semaphore_mem>>
          tpu.wait_indirect_dma semaphore(%dma_wait3A_555 : memref<!tpu.dma_semaphore, #tpu.memory_space<semaphore_mem>>) src(%arg11 : memref<40x16xf32, #tpu.memory_space<vmem>>) dst(%dma_wait3A_553 : memref<10000x16xf32, #tpu.memory_space<vmem_shared>>)
        } else {
        }
        %dma_start3A_517 = arith.constant 4 : i32
        %dma_start3A_518 = arith.constant 0 : i32
        %dma_start3A_519 = tpu.memref_slice %arg9[%add3A_479, %dma_start3A_518] : memref<125x40xi32, #tpu.memory_space<vmem>> -> memref<1x40xi32, #tpu.memory_space<vmem>>
        %dma_start3A_520 = tpu.memref_squeeze %dma_start3A_519 : memref<1x40xi32, #tpu.memory_space<vmem>> -> memref<40xi32, #tpu.memory_space<vmem>>
        %dma_start3A_521 = arith.constant 0 : i32
        %dma_start3A_522 = arith.constant 0 : i32
        %dma_start3A_523 = tpu.memref_slice %arg7[%dma_start3A_521, %dma_start3A_522] : memref<10000x16xf32, #tpu.memory_space<vmem_shared>> -> memref<10000x16xf32, #tpu.memory_space<vmem_shared>>
        %dma_start3A_524 = tpu.memref_slice %arg15[%dma_start3A_517] : memref<5x!tpu.dma_semaphore, #tpu.memory_space<semaphore_mem>> -> memref<1x!tpu.dma_semaphore, #tpu.memory_space<semaphore_mem>>
        %dma_start3A_525 = tpu.memref_squeeze %dma_start3A_524 : memref<1x!tpu.dma_semaphore, #tpu.memory_space<semaphore_mem>> -> memref<!tpu.dma_semaphore, #tpu.memory_space<semaphore_mem>>
        tpu.enqueue_indirect_dma source(%arg11 : memref<40x16xf32, #tpu.memory_space<vmem>>) target(%dma_start3A_523 : memref<10000x16xf32, #tpu.memory_space<vmem_shared>>) offsets(%dma_start3A_520 : memref<40xi32, #tpu.memory_space<vmem>>) semaphore(%dma_start3A_525 : memref<!tpu.dma_semaphore, #tpu.memory_space<semaphore_mem>>) {add = true}
        %dma_wait3A_526 = arith.constant 4 : i32
        %dma_wait3A_527 = arith.constant 4 : i32
        %dma_wait3A_528 = arith.constant 0 : i32
        %dma_wait3A_529 = arith.constant 0 : i32
        %dma_wait3A_530 = tpu.memref_slice %arg10[%dma_wait3A_526, %dma_wait3A_528, %dma_wait3A_529] : memref<5x40x128xf32, #tpu.memory_space<vmem>> -> memref<1x40x128xf32, #tpu.memory_space<vmem>>
        %dma_wait3A_531 = tpu.memref_squeeze %dma_wait3A_530 : memref<1x40x128xf32, #tpu.memory_space<vmem>> -> memref<40x128xf32, #tpu.memory_space<vmem>>
        %dma_wait3A_532 = arith.constant 0 : i32
        %dma_wait3A_533 = tpu.memref_slice %arg9[%add3A_479, %dma_wait3A_532] : memref<125x40xi32, #tpu.memory_space<vmem>> -> memref<1x40xi32, #tpu.memory_space<vmem>>
        %dma_wait3A_534 = tpu.memref_squeeze %dma_wait3A_533 : memref<1x40xi32, #tpu.memory_space<vmem>> -> memref<40xi32, #tpu.memory_space<vmem>>
        %dma_wait3A_535 = arith.constant 0 : i32
        %dma_wait3A_536 = arith.constant 0 : i32
        %dma_wait3A_537 = tpu.memref_slice %arg6[%dma_wait3A_535, %dma_wait3A_536] : memref<10000x128xf32, #tpu.memory_space<vmem_shared>> -> memref<10000x128xf32, #tpu.memory_space<vmem_shared>>
        %dma_wait3A_538 = tpu.memref_slice %arg14[%dma_wait3A_527] : memref<5x!tpu.dma_semaphore, #tpu.memory_space<semaphore_mem>> -> memref<1x!tpu.dma_semaphore, #tpu.memory_space<semaphore_mem>>
        %dma_wait3A_539 = tpu.memref_squeeze %dma_wait3A_538 : memref<1x!tpu.dma_semaphore, #tpu.memory_space<semaphore_mem>> -> memref<!tpu.dma_semaphore, #tpu.memory_space<semaphore_mem>>
        tpu.wait_indirect_dma semaphore(%dma_wait3A_539 : memref<!tpu.dma_semaphore, #tpu.memory_space<semaphore_mem>>) src(%dma_wait3A_531 : memref<40x128xf32, #tpu.memory_space<vmem>>) dst(%dma_wait3A_537 : memref<10000x128xf32, #tpu.memory_space<vmem_shared>>)
        %add3A_540 = arith.constant 5 : i32
        %add3A_541 = arith.addi %add3A_479, %add3A_540 : i32
        %lt3A_542 = arith.constant 125 : i32
        %lt3A_543 = arith.cmpi slt, %add3A_541, %lt3A_542 : i32
        %convert_element_type3A_544 = arith.extui %lt3A_543 : i1 to i32
        %cond3A_545 = arith.constant 0 : i32
        %cond3A_546 = arith.cmpi ne, %convert_element_type3A_544, %cond3A_545 : i32
        scf.if %cond3A_546 {
          %add3A_547 = arith.constant 5 : i32
          %add3A_548 = arith.addi %add3A_479, %add3A_547 : i32
          %dma_start3A_549 = arith.constant 4 : i32
          %dma_start3A_550 = arith.constant 4 : i32
          %dma_start3A_551 = arith.constant 0 : i32
          %dma_start3A_552 = arith.constant 0 : i32
          %dma_start3A_553 = tpu.memref_slice %arg10[%dma_start3A_549, %dma_start3A_551, %dma_start3A_552] : memref<5x40x128xf32, #tpu.memory_space<vmem>> -> memref<1x40x128xf32, #tpu.memory_space<vmem>>
          %dma_start3A_554 = tpu.memref_squeeze %dma_start3A_553 : memref<1x40x128xf32, #tpu.memory_space<vmem>> -> memref<40x128xf32, #tpu.memory_space<vmem>>
          %dma_start3A_555 = arith.constant 0 : i32
          %dma_start3A_556 = tpu.memref_slice %arg8[%add3A_548, %dma_start3A_555] : memref<125x40xi32, #tpu.memory_space<vmem>> -> memref<1x40xi32, #tpu.memory_space<vmem>>
          %dma_start3A_557 = tpu.memref_squeeze %dma_start3A_556 : memref<1x40xi32, #tpu.memory_space<vmem>> -> memref<40xi32, #tpu.memory_space<vmem>>
          %dma_start3A_558 = arith.constant 0 : i32
          %dma_start3A_559 = arith.constant 0 : i32
          %dma_start3A_560 = tpu.memref_slice %arg2[%dma_start3A_558, %dma_start3A_559] : memref<10000x128xf32, #tpu.memory_space<hbm>> -> memref<10000x128xf32, #tpu.memory_space<hbm>>
          %dma_start3A_561 = tpu.memref_slice %arg13[%dma_start3A_550] : memref<5x!tpu.dma_semaphore, #tpu.memory_space<semaphore_mem>> -> memref<1x!tpu.dma_semaphore, #tpu.memory_space<semaphore_mem>>
          %dma_start3A_562 = tpu.memref_squeeze %dma_start3A_561 : memref<1x!tpu.dma_semaphore, #tpu.memory_space<semaphore_mem>> -> memref<!tpu.dma_semaphore, #tpu.memory_space<semaphore_mem>>
          tpu.enqueue_indirect_dma source(%dma_start3A_560 : memref<10000x128xf32, #tpu.memory_space<hbm>>) target(%dma_start3A_554 : memref<40x128xf32, #tpu.memory_space<vmem>>) offsets(%dma_start3A_557 : memref<40xi32, #tpu.memory_space<vmem>>) semaphore(%dma_start3A_562 : memref<!tpu.dma_semaphore, #tpu.memory_space<semaphore_mem>>)
        } else {
        }
      }
      %scan3A_201 = arith.constant 25 : i32
    }
    %scan3A_59 = arith.constant 2 : i32
    %dma_wait3A = arith.constant 0 : i32
    %dma_wait3A_60 = arith.constant 0 : i32
    %dma_wait3A_61 = arith.constant 0 : i32
    %dma_wait3A_62 = tpu.memref_slice %arg9[%dma_wait3A, %dma_wait3A_61] : memref<125x40xi32, #tpu.memory_space<vmem>> -> memref<1x40xi32, #tpu.memory_space<vmem>>
    %dma_wait3A_63 = tpu.memref_squeeze %dma_wait3A_62 : memref<1x40xi32, #tpu.memory_space<vmem>> -> memref<40xi32, #tpu.memory_space<vmem>>
    %dma_wait3A_64 = arith.constant 0 : i32
    %dma_wait3A_65 = arith.constant 0 : i32
    %dma_wait3A_66 = tpu.memref_slice %arg7[%dma_wait3A_64, %dma_wait3A_65] : memref<10000x16xf32, #tpu.memory_space<vmem_shared>> -> memref<10000x16xf32, #tpu.memory_space<vmem_shared>>
    %dma_wait3A_67 = tpu.memref_slice %arg15[%dma_wait3A_60] : memref<5x!tpu.dma_semaphore, #tpu.memory_space<semaphore_mem>> -> memref<1x!tpu.dma_semaphore, #tpu.memory_space<semaphore_mem>>
    %dma_wait3A_68 = tpu.memref_squeeze %dma_wait3A_67 : memref<1x!tpu.dma_semaphore, #tpu.memory_space<semaphore_mem>> -> memref<!tpu.dma_semaphore, #tpu.memory_space<semaphore_mem>>
    tpu.wait_indirect_dma semaphore(%dma_wait3A_68 : memref<!tpu.dma_semaphore, #tpu.memory_space<semaphore_mem>>) src(%arg11 : memref<40x16xf32, #tpu.memory_space<vmem>>) dst(%dma_wait3A_66 : memref<10000x16xf32, #tpu.memory_space<vmem_shared>>)
    %dma_wait3A_69 = arith.constant 1 : i32
    %dma_wait3A_70 = arith.constant 1 : i32
    %dma_wait3A_71 = arith.constant 0 : i32
    %dma_wait3A_72 = tpu.memref_slice %arg9[%dma_wait3A_69, %dma_wait3A_71] : memref<125x40xi32, #tpu.memory_space<vmem>> -> memref<1x40xi32, #tpu.memory_space<vmem>>
    %dma_wait3A_73 = tpu.memref_squeeze %dma_wait3A_72 : memref<1x40xi32, #tpu.memory_space<vmem>> -> memref<40xi32, #tpu.memory_space<vmem>>
    %dma_wait3A_74 = arith.constant 0 : i32
    %dma_wait3A_75 = arith.constant 0 : i32
    %dma_wait3A_76 = tpu.memref_slice %arg7[%dma_wait3A_74, %dma_wait3A_75] : memref<10000x16xf32, #tpu.memory_space<vmem_shared>> -> memref<10000x16xf32, #tpu.memory_space<vmem_shared>>
    %dma_wait3A_77 = tpu.memref_slice %arg15[%dma_wait3A_70] : memref<5x!tpu.dma_semaphore, #tpu.memory_space<semaphore_mem>> -> memref<1x!tpu.dma_semaphore, #tpu.memory_space<semaphore_mem>>
    %dma_wait3A_78 = tpu.memref_squeeze %dma_wait3A_77 : memref<1x!tpu.dma_semaphore, #tpu.memory_space<semaphore_mem>> -> memref<!tpu.dma_semaphore, #tpu.memory_space<semaphore_mem>>
    tpu.wait_indirect_dma semaphore(%dma_wait3A_78 : memref<!tpu.dma_semaphore, #tpu.memory_space<semaphore_mem>>) src(%arg11 : memref<40x16xf32, #tpu.memory_space<vmem>>) dst(%dma_wait3A_76 : memref<10000x16xf32, #tpu.memory_space<vmem_shared>>)
    %dma_wait3A_79 = arith.constant 2 : i32
    %dma_wait3A_80 = arith.constant 2 : i32
    %dma_wait3A_81 = arith.constant 0 : i32
    %dma_wait3A_82 = tpu.memref_slice %arg9[%dma_wait3A_79, %dma_wait3A_81] : memref<125x40xi32, #tpu.memory_space<vmem>> -> memref<1x40xi32, #tpu.memory_space<vmem>>
    %dma_wait3A_83 = tpu.memref_squeeze %dma_wait3A_82 : memref<1x40xi32, #tpu.memory_space<vmem>> -> memref<40xi32, #tpu.memory_space<vmem>>
    %dma_wait3A_84 = arith.constant 0 : i32
    %dma_wait3A_85 = arith.constant 0 : i32
    %dma_wait3A_86 = tpu.memref_slice %arg7[%dma_wait3A_84, %dma_wait3A_85] : memref<10000x16xf32, #tpu.memory_space<vmem_shared>> -> memref<10000x16xf32, #tpu.memory_space<vmem_shared>>
    %dma_wait3A_87 = tpu.memref_slice %arg15[%dma_wait3A_80] : memref<5x!tpu.dma_semaphore, #tpu.memory_space<semaphore_mem>> -> memref<1x!tpu.dma_semaphore, #tpu.memory_space<semaphore_mem>>
    %dma_wait3A_88 = tpu.memref_squeeze %dma_wait3A_87 : memref<1x!tpu.dma_semaphore, #tpu.memory_space<semaphore_mem>> -> memref<!tpu.dma_semaphore, #tpu.memory_space<semaphore_mem>>
    tpu.wait_indirect_dma semaphore(%dma_wait3A_88 : memref<!tpu.dma_semaphore, #tpu.memory_space<semaphore_mem>>) src(%arg11 : memref<40x16xf32, #tpu.memory_space<vmem>>) dst(%dma_wait3A_86 : memref<10000x16xf32, #tpu.memory_space<vmem_shared>>)
    %dma_wait3A_89 = arith.constant 3 : i32
    %dma_wait3A_90 = arith.constant 3 : i32
    %dma_wait3A_91 = arith.constant 0 : i32
    %dma_wait3A_92 = tpu.memref_slice %arg9[%dma_wait3A_89, %dma_wait3A_91] : memref<125x40xi32, #tpu.memory_space<vmem>> -> memref<1x40xi32, #tpu.memory_space<vmem>>
    %dma_wait3A_93 = tpu.memref_squeeze %dma_wait3A_92 : memref<1x40xi32, #tpu.memory_space<vmem>> -> memref<40xi32, #tpu.memory_space<vmem>>
    %dma_wait3A_94 = arith.constant 0 : i32
    %dma_wait3A_95 = arith.constant 0 : i32
    %dma_wait3A_96 = tpu.memref_slice %arg7[%dma_wait3A_94, %dma_wait3A_95] : memref<10000x16xf32, #tpu.memory_space<vmem_shared>> -> memref<10000x16xf32, #tpu.memory_space<vmem_shared>>
    %dma_wait3A_97 = tpu.memref_slice %arg15[%dma_wait3A_90] : memref<5x!tpu.dma_semaphore, #tpu.memory_space<semaphore_mem>> -> memref<1x!tpu.dma_semaphore, #tpu.memory_space<semaphore_mem>>
    %dma_wait3A_98 = tpu.memref_squeeze %dma_wait3A_97 : memref<1x!tpu.dma_semaphore, #tpu.memory_space<semaphore_mem>> -> memref<!tpu.dma_semaphore, #tpu.memory_space<semaphore_mem>>
    tpu.wait_indirect_dma semaphore(%dma_wait3A_98 : memref<!tpu.dma_semaphore, #tpu.memory_space<semaphore_mem>>) src(%arg11 : memref<40x16xf32, #tpu.memory_space<vmem>>) dst(%dma_wait3A_96 : memref<10000x16xf32, #tpu.memory_space<vmem_shared>>)
    %dma_wait3A_99 = arith.constant 4 : i32
    %dma_wait3A_100 = arith.constant 4 : i32
    %dma_wait3A_101 = arith.constant 0 : i32
    %dma_wait3A_102 = tpu.memref_slice %arg9[%dma_wait3A_99, %dma_wait3A_101] : memref<125x40xi32, #tpu.memory_space<vmem>> -> memref<1x40xi32, #tpu.memory_space<vmem>>
    %dma_wait3A_103 = tpu.memref_squeeze %dma_wait3A_102 : memref<1x40xi32, #tpu.memory_space<vmem>> -> memref<40xi32, #tpu.memory_space<vmem>>
    %dma_wait3A_104 = arith.constant 0 : i32
    %dma_wait3A_105 = arith.constant 0 : i32
    %dma_wait3A_106 = tpu.memref_slice %arg7[%dma_wait3A_104, %dma_wait3A_105] : memref<10000x16xf32, #tpu.memory_space<vmem_shared>> -> memref<10000x16xf32, #tpu.memory_space<vmem_shared>>
    %dma_wait3A_107 = tpu.memref_slice %arg15[%dma_wait3A_100] : memref<5x!tpu.dma_semaphore, #tpu.memory_space<semaphore_mem>> -> memref<1x!tpu.dma_semaphore, #tpu.memory_space<semaphore_mem>>
    %dma_wait3A_108 = tpu.memref_squeeze %dma_wait3A_107 : memref<1x!tpu.dma_semaphore, #tpu.memory_space<semaphore_mem>> -> memref<!tpu.dma_semaphore, #tpu.memory_space<semaphore_mem>>
    tpu.wait_indirect_dma semaphore(%dma_wait3A_108 : memref<!tpu.dma_semaphore, #tpu.memory_space<semaphore_mem>>) src(%arg11 : memref<40x16xf32, #tpu.memory_space<vmem>>) dst(%dma_wait3A_106 : memref<10000x16xf32, #tpu.memory_space<vmem_shared>>)
    %barrier3A_109 = arith.constant 0 : index
    tpu.barrier barrier_id(%barrier3A_109)
    "tpu.region"() ({
      %run_scoped3A_110 = tpu.sem_alloc : memref<!tpu.dma_semaphore, #tpu.memory_space<semaphore_mem>>
      %dma_start3A = arith.constant 0 : i32
      %dma_start3A_111 = tpu.memref_slice %arg4[%arg0, %mul3A_39, %dma_start3A] : memref<2x10000x128xf32, #tpu.memory_space<hbm>> -> memref<1x625x128xf32, #tpu.memory_space<hbm>>
      %dma_start3A_112 = tpu.memref_squeeze %dma_start3A_111 : memref<1x625x128xf32, #tpu.memory_space<hbm>> -> memref<625x128xf32, #tpu.memory_space<hbm>>
      %dma_start3A_113 = arith.constant 0 : i32
      %dma_start3A_114 = tpu.memref_slice %arg6[%mul3A_39, %dma_start3A_113] : memref<10000x128xf32, #tpu.memory_space<vmem_shared>> -> memref<625x128xf32, #tpu.memory_space<vmem_shared>>
      tpu.enqueue_dma source(%dma_start3A_114 : memref<625x128xf32, #tpu.memory_space<vmem_shared>>) target(%dma_start3A_112 : memref<625x128xf32, #tpu.memory_space<hbm>>) target_semaphore(%run_scoped3A_110 : memref<!tpu.dma_semaphore, #tpu.memory_space<semaphore_mem>>)
      %dma_wait3A_115 = arith.constant 0 : i32
      %dma_wait3A_116 = tpu.memref_slice %arg4[%arg0, %mul3A_39, %dma_wait3A_115] : memref<2x10000x128xf32, #tpu.memory_space<hbm>> -> memref<1x625x128xf32, #tpu.memory_space<hbm>>
      %dma_wait3A_117 = tpu.memref_squeeze %dma_wait3A_116 : memref<1x625x128xf32, #tpu.memory_space<hbm>> -> memref<625x128xf32, #tpu.memory_space<hbm>>
      %dma_wait3A_118 = arith.constant 0 : i32
      %dma_wait3A_119 = tpu.memref_slice %arg6[%mul3A_39, %dma_wait3A_118] : memref<10000x128xf32, #tpu.memory_space<vmem_shared>> -> memref<625x128xf32, #tpu.memory_space<vmem_shared>>
      tpu.wait_dma2 semaphore(%run_scoped3A_110 : memref<!tpu.dma_semaphore, #tpu.memory_space<semaphore_mem>>) src(%dma_wait3A_119 : memref<625x128xf32, #tpu.memory_space<vmem_shared>>) dst(%dma_wait3A_117 : memref<625x128xf32, #tpu.memory_space<hbm>>)
      tpu.yield
    }) : () -> ()
    "tpu.region"() ({
      %run_scoped3A_110 = tpu.sem_alloc : memref<!tpu.dma_semaphore, #tpu.memory_space<semaphore_mem>>
      %dma_start3A = arith.constant 0 : i32
      %dma_start3A_111 = tpu.memref_slice %arg5[%arg0, %mul3A_39, %dma_start3A] : memref<2x10000x16xf32, #tpu.memory_space<hbm>> -> memref<1x625x16xf32, #tpu.memory_space<hbm>>
      %dma_start3A_112 = tpu.memref_squeeze %dma_start3A_111 : memref<1x625x16xf32, #tpu.memory_space<hbm>> -> memref<625x16xf32, #tpu.memory_space<hbm>>
      %dma_start3A_113 = arith.constant 0 : i32
      %dma_start3A_114 = tpu.memref_slice %arg7[%mul3A_39, %dma_start3A_113] : memref<10000x16xf32, #tpu.memory_space<vmem_shared>> -> memref<625x16xf32, #tpu.memory_space<vmem_shared>>
      tpu.enqueue_dma source(%dma_start3A_114 : memref<625x16xf32, #tpu.memory_space<vmem_shared>>) target(%dma_start3A_112 : memref<625x16xf32, #tpu.memory_space<hbm>>) target_semaphore(%run_scoped3A_110 : memref<!tpu.dma_semaphore, #tpu.memory_space<semaphore_mem>>)
      %dma_wait3A_115 = arith.constant 0 : i32
      %dma_wait3A_116 = tpu.memref_slice %arg5[%arg0, %mul3A_39, %dma_wait3A_115] : memref<2x10000x16xf32, #tpu.memory_space<hbm>> -> memref<1x625x16xf32, #tpu.memory_space<hbm>>
      %dma_wait3A_117 = tpu.memref_squeeze %dma_wait3A_116 : memref<1x625x16xf32, #tpu.memory_space<hbm>> -> memref<625x16xf32, #tpu.memory_space<hbm>>
      %dma_wait3A_118 = arith.constant 0 : i32
      %dma_wait3A_119 = tpu.memref_slice %arg7[%mul3A_39, %dma_wait3A_118] : memref<10000x16xf32, #tpu.memory_space<vmem_shared>> -> memref<625x16xf32, #tpu.memory_space<vmem_shared>>
      tpu.wait_dma2 semaphore(%run_scoped3A_110 : memref<!tpu.dma_semaphore, #tpu.memory_space<semaphore_mem>>) src(%dma_wait3A_119 : memref<625x16xf32, #tpu.memory_space<vmem_shared>>) dst(%dma_wait3A_117 : memref<625x16xf32, #tpu.memory_space<hbm>>)
      tpu.yield
    }) : () -> ()
    return
  }
}

module attributes {stable_mosaic.version = 14 : i64} {
  func.func @body(%arg0: i32, %arg1: memref<2000x128xf32, #tpu.memory_space<vmem>>, %arg2: memref<2x2000x128xf32, #tpu.memory_space<vmem>>, %arg3: memref<2x2000x16xf32, #tpu.memory_space<vmem>>, %arg4: memref<128x128xf32, #tpu.memory_space<vmem>>, %arg5: memref<2000x128xf32, #tpu.memory_space<vmem>>) attributes {dimension_semantics = [#tpu.dimension_semantics<arbitrary>], iteration_bounds = array<i64: 5>, scalar_prefetch = 0 : i64, scratch_operands = 0 : i64, tpu.core_type = #tpu.core_type<tc>, window_params = [{transform_indices = @transform_0, window_bounds = array<i64: 2000, 128>}, {transform_indices = @transform_1, window_bounds = array<i64: 2, 2000, 128>}, {transform_indices = @transform_2, window_bounds = array<i64: 2, 2000, 16>}, {pipeline_mode = #tpu.pipeline_mode<synchronous>, transform_indices = @transform_3, window_bounds = array<i64: 128, 128>}, {transform_indices = @transform_4, window_bounds = array<i64: 2000, 128>}]} {
    %get3A = arith.constant 0 : index
    %get3A_0 = arith.constant 0 : index
    %get3A_1 = arith.constant 0 : index
    %get3A_2 = vector.load %arg2[%get3A, %get3A_0, %get3A_1] : memref<2x2000x128xf32, #tpu.memory_space<vmem>>, vector<1x2000x128xf32>
    %get3A_3 = vector.shape_cast %get3A_2 : vector<1x2000x128xf32> to vector<2000x128xf32>
    %get3A_4 = arith.constant 1 : index
    %get3A_5 = arith.constant 0 : index
    %get3A_6 = arith.constant 0 : index
    %get3A_7 = vector.load %arg2[%get3A_4, %get3A_5, %get3A_6] : memref<2x2000x128xf32, #tpu.memory_space<vmem>>, vector<1x2000x128xf32>
    %get3A_8 = vector.shape_cast %get3A_7 : vector<1x2000x128xf32> to vector<2000x128xf32>
    %add3A = arith.addf %get3A_3, %get3A_8 : vector<2000x128xf32>
    %get3A_9 = arith.constant 0 : index
    %get3A_10 = arith.constant 0 : index
    %get3A_11 = arith.constant 0 : index
    %get3A_12 = vector.load %arg3[%get3A_9, %get3A_10, %get3A_11] : memref<2x2000x16xf32, #tpu.memory_space<vmem>>, vector<1x2000x1xf32>
    %get3A_13 = vector.shape_cast %get3A_12 : vector<1x2000x1xf32> to vector<2000x1xf32>
    %get3A_14 = arith.constant 1 : index
    %get3A_15 = arith.constant 0 : index
    %get3A_16 = arith.constant 0 : index
    %get3A_17 = vector.load %arg3[%get3A_14, %get3A_15, %get3A_16] : memref<2x2000x16xf32, #tpu.memory_space<vmem>>, vector<1x2000x1xf32>
    %get3A_18 = vector.shape_cast %get3A_17 : vector<1x2000x1xf32> to vector<2000x1xf32>
    %add3A_19 = arith.addf %get3A_13, %get3A_18 : vector<2000x1xf32>
    %max3A = arith.constant 1.000000e+00 : f32
    %max3A_20 = vector.broadcast %max3A : f32 to vector<2000x1xf32>
    %max3A_21 = arith.maximumf %add3A_19, %max3A_20 : vector<2000x1xf32>
    %div3A = vector.broadcast %max3A_21 : vector<2000x1xf32> to vector<2000x128xf32>
    %div3A_22 = arith.divf %add3A, %div3A : vector<2000x128xf32>
    %get3A_23 = arith.constant 0 : index
    %get3A_24 = arith.constant 0 : index
    %get3A_25 = vector.load %arg1[%get3A_23, %get3A_24] : memref<2000x128xf32, #tpu.memory_space<vmem>>, vector<2000x128xf32>
    %get3A_26 = arith.constant 0 : index
    %get3A_27 = arith.constant 0 : index
    %get3A_28 = vector.load %arg4[%get3A_26, %get3A_27] : memref<128x128xf32, #tpu.memory_space<vmem>>, vector<128x128xf32>
    %dot_general3A = arith.constant dense<0.000000e+00> : vector<2000x128xf32>
    %dot_general3A_29 = tpu.matmul %div3A_22, %get3A_28, %dot_general3A {dimension_numbers = #tpu.dot_dimension_numbers<[1], [0], [0], [1], [0, 0, 1, 1], [], []>, transpose_lhs_hint = false} : vector<2000x128xf32>, vector<128x128xf32>, vector<2000x128xf32> -> vector<2000x128xf32>
    %add3A_30 = arith.addf %get3A_25, %dot_general3A_29 : vector<2000x128xf32>
    %swap3A = arith.constant 0 : index
    %swap3A_31 = arith.constant 0 : index
    %swap3A_32 = vector.load %arg5[%swap3A, %swap3A_31] : memref<2000x128xf32, #tpu.memory_space<vmem>>, vector<2000x128xf32>
    tpu.vector_store %arg5[%swap3A, %swap3A_31], %add3A_30 {strides = array<i32>} : memref<2000x128xf32, #tpu.memory_space<vmem>>, vector<2000x128xf32>,
    return
  }
  func.func @transform_0(%arg0: i32) -> (i32, i32) {
    %c0_i32 = arith.constant 0 : i32
    %c0_i32_0 = arith.constant 0 : i32
    return %arg0, %c0_i32 : i32, i32
  }
  func.func @transform_1(%arg0: i32) -> (i32, i32, i32) {
    %c0_i32 = arith.constant 0 : i32
    %c0_i32_0 = arith.constant 0 : i32
    %c0_i32_1 = arith.constant 0 : i32
    return %c0_i32, %arg0, %c0_i32_0 : i32, i32, i32
  }
  func.func @transform_2(%arg0: i32) -> (i32, i32, i32) {
    %c0_i32 = arith.constant 0 : i32
    %c0_i32_0 = arith.constant 0 : i32
    %c0_i32_1 = arith.constant 0 : i32
    return %c0_i32, %arg0, %c0_i32_0 : i32, i32, i32
  }
  func.func @transform_3(%arg0: i32) -> (i32, i32) {
    %c0_i32 = arith.constant 0 : i32
    %c0_i32_0 = arith.constant 0 : i32
    %c0_i32_1 = arith.constant 0 : i32
    return %c0_i32, %c0_i32_0 : i32, i32
  }
  func.func @transform_4(%arg0: i32) -> (i32, i32) {
    %c0_i32 = arith.constant 0 : i32
    %c0_i32_0 = arith.constant 0 : i32
    return %arg0, %c0_i32 : i32, i32
  }
}

module attributes {stable_mosaic.version = 14 : i64} {
  func.func @body(%arg0: i32, %arg1: memref<2000x128xf32, #tpu.memory_space<vmem>>, %arg2: memref<128x128xf32, #tpu.memory_space<vmem>>, %arg3: memref<1x128xf32, #tpu.memory_space<vmem>>, %arg4: memref<2000x128xf32, #tpu.memory_space<vmem>>) attributes {dimension_semantics = [#tpu.dimension_semantics<arbitrary>], iteration_bounds = array<i64: 5>, scalar_prefetch = 0 : i64, scratch_operands = 0 : i64, tpu.core_type = #tpu.core_type<tc>, window_params = [{transform_indices = @transform_0, window_bounds = array<i64: 2000, 128>}, {pipeline_mode = #tpu.pipeline_mode<synchronous>, transform_indices = @transform_1, window_bounds = array<i64: 128, 128>}, {pipeline_mode = #tpu.pipeline_mode<synchronous>, transform_indices = @transform_2, window_bounds = array<i64: 1, 128>}, {transform_indices = @transform_3, window_bounds = array<i64: 2000, 128>}]} {
    %get3A = arith.constant 0 : index
    %get3A_0 = arith.constant 0 : index
    %get3A_1 = vector.load %arg1[%get3A, %get3A_0] : memref<2000x128xf32, #tpu.memory_space<vmem>>, vector<2000x128xf32>
    %get3A_2 = arith.constant 0 : index
    %get3A_3 = arith.constant 0 : index
    %get3A_4 = vector.load %arg2[%get3A_2, %get3A_3] : memref<128x128xf32, #tpu.memory_space<vmem>>, vector<128x128xf32>
    %dot_general3A = arith.constant dense<0.000000e+00> : vector<2000x128xf32>
    %dot_general3A_5 = tpu.matmul %get3A_1, %get3A_4, %dot_general3A {dimension_numbers = #tpu.dot_dimension_numbers<[1], [0], [0], [1], [0, 0, 1, 1], [], []>, transpose_lhs_hint = false} : vector<2000x128xf32>, vector<128x128xf32>, vector<2000x128xf32> -> vector<2000x128xf32>
    %get3A_6 = arith.constant 0 : index
    %get3A_7 = arith.constant 0 : index
    %get3A_8 = vector.load %arg3[%get3A_6, %get3A_7] : memref<1x128xf32, #tpu.memory_space<vmem>>, vector<1x128xf32>
    %add3A = vector.broadcast %get3A_8 : vector<1x128xf32> to vector<2000x128xf32>
    %add3A_9 = arith.addf %dot_general3A_5, %add3A : vector<2000x128xf32>
    %swap3A = arith.constant 0 : index
    %swap3A_10 = arith.constant 0 : index
    %swap3A_11 = vector.load %arg4[%swap3A, %swap3A_10] : memref<2000x128xf32, #tpu.memory_space<vmem>>, vector<2000x128xf32>
    tpu.vector_store %arg4[%swap3A, %swap3A_10], %add3A_9 {strides = array<i32>} : memref<2000x128xf32, #tpu.memory_space<vmem>>, vector<2000x128xf32>,
    return
  }
  func.func @transform_0(%arg0: i32) -> (i32, i32) {
    %c0_i32 = arith.constant 0 : i32
    %c0_i32_0 = arith.constant 0 : i32
    return %arg0, %c0_i32 : i32, i32
  }
  func.func @transform_1(%arg0: i32) -> (i32, i32) {
    %c0_i32 = arith.constant 0 : i32
    %c0_i32_0 = arith.constant 0 : i32
    %c0_i32_1 = arith.constant 0 : i32
    return %c0_i32, %c0_i32_0 : i32, i32
  }
  func.func @transform_2(%arg0: i32) -> (i32, i32) {
    %c0_i32 = arith.constant 0 : i32
    %c0_i32_0 = arith.constant 0 : i32
    %c0_i32_1 = arith.constant 0 : i32
    return %c0_i32, %c0_i32_0 : i32, i32
  }
  func.func @transform_3(%arg0: i32) -> (i32, i32) {
    %c0_i32 = arith.constant 0 : i32
    %c0_i32_0 = arith.constant 0 : i32
    return %arg0, %c0_i32 : i32, i32
  }
}

</mosaic_0001>

<sc_bundles>
// kernel: kernel.5.cloned.1.call-start
scs
__scs_entry_jumppad:
0x0: {  	(pc) =	sbr.rel $0x88, $3  }
0x1: {  	(tag) =	ssettag $0x0;
	lr =	simm.s32 $0x1  }
0x2: {  	[smem:$0x3F9C] =	sst lr;
	_ =	strace $0xD0000000  }
0x3: {  	_ = 	snop  }
0x4: {  	_ = 	snop  }
0x5: {  	_ = 	snop  }
0x6: {  	_ = 	snop  }
0x7: {  	_ = 	snop  }
__scs_overlays_trampoline_lowered:
0x8: {  	[smem:$0x3FAB] =	sst s0  }
0x9: {  	[smem:$0x3FAC] =	sst s1  }
0xa: {  	[smem:$0x3FAD] =	sst s2  }
0xb: {  	[smem:$0x3FAE] =	sst s3  }
0xc: {  	[smem:$0x3FAF] =	sst s4  }
0xd: {  	[smem:$0x3FB0] =	sst s5  }
0xe: {  	[smem:$0x3FB1] =	sst s6  }
0xf: {  	[smem:$0x3FB2] =	sst s7  }
0x10: {  	[smem:$0x3FB3] =	sst s8  }
0x11: {  	[smem:$0x3FB4] =	sst s9;
	s0 =	simm.s32 @!p0 $0x0  }
0x12: {  	s1 =	sld [smem:$0x3F9A];
	s0 =	simm.s32 @p0 $0x1  }
0x13: {  	[smem:$0x3FB5] =	sst s0;
	s0 =	simm.s32 @!p1 $0x0  }
0x14: {  	s2 =	sld [smem:$0x3F99];
	s0 =	simm.s32 @p1 $0x1  }
0x15: {  	[smem:$0x3FB6] =	sst s0;
	s0 =	simm.s32 @!p2 $0x0  }
0x16: {  	s3 =	sld [smem:$0x3FDB];
	s0 =	simm.s32 @p2 $0x1  }
0x17: {  	s4 =	simm.s32 $0x1BF5;
	[smem:$0x3FB8] =	sst s0  }
0x18: {  	s0 =	sld [smem:$0x3F9B];
	_ =	swait.ge [sflag:s4], $0x0  }
0x19: {  	s7 =	sld [smem:$0x3F9C]  }
0x1a: {  	s8 =	sadd.s32 $0xFFFFE003, lr  }
0x1b: {  	s9 =	sadd.s32 $0xFFFFFEF7, lr;
	s5 =	simm.s32 $0xFFFFFFFF;
	p2 =	slt.u32 s8, $0xFFFFF086  }
0x1c: {  	p1 =	slt.u32 s9, $0xF7A;
	s5 =	simm.s32 @!p2 $0x0  }
0x1d: {  	s5 =	simm.s32 @p1 $0x1;
	p0 =	seq.s32 s7, s2  }
0x1e: {  	s7 =	smul.u32 @!p0 $0xF7A, s2;
	p2 =	seq.s32 @!p0 s5, $0x0  }
0x1f: {  	s9 =	smul.u32 $0xF7A, s1;
	s8 =	simm.s32 @!p0 $0x1BF5;
	p2 =	por !p2, p0  }
0x20: {  	[sflag:s8] =	ssyncset.s32 @!p0 $0xFFFFF086;
	s6 =	sadd.s32 @!p0 s3, s7;
	s7 =	simm.s32 @!p0 $0x108  }
0x21: {  	s3 =	sadd.s32 s3, s9;
	s6 =	sadd.s32 @!p0 $0x88, s6;
	s7 =	simm.s32 @p2 $0x1082  }
0x22: {  	[simem:s7], [sflag:s8] =	dma.local @!p0 [hbm:s6], $0xF7A  }
0x23: {  	s9 =	sor.u32 $0xD0000000, s2;
	s6 =	simm.s32 $0x108;
	_ =	swait.ge @!p0 [sflag:s8], $0x0  }
0x24: {  	s3 =	sadd.s32 $0x88, s3;
	s6 =	simm.s32 @!p1 $0x1082;
	[sflag:s4] =	ssyncset.s32 $0xFFFFF086  }
0x25: {  	[simem:s6], [sflag:s4] =	dma.local [hbm:s3], $0xF7A  }
0x26: {  	[smem:$0x3F9C] =	sst s1;
	(tag) =	ssettag s2;
	_ =	strace s9  }
0x27: {  	s1 =	sld [smem:$0x3FAC]  }
0x28: {  	s2 =	sld [smem:$0x3FAD]  }
0x29: {  	s4 =	sld [smem:$0x3FAF]  }
0x2a: {  	p0 =	seq.s32 s5, $0x0;
	s5 =	sld [smem:$0x3FB0]  }
0x2b: {  	s6 =	sld [smem:$0x3FB1]  }
0x2c: {  	s7 =	sld [smem:$0x3FB2]  }
0x2d: {  	s3 =	simm.s32 $0x108;
	s8 =	sld [smem:$0x3FB3]  }
0x2e: {  	s3 =	simm.s32 @!p0 $0x1082;
	s9 =	sld [smem:$0x3FB4]  }
0x2f: {  	lr =	sadd.s32 s0, s3;
	s0 =	sld [smem:$0x3FAB]  }
0x30: {  	s3 =	sld [smem:$0x3FAE]  }
0x31: {  	[smem:$0x3FB7] =	sst s10  }
0x32: {  	s10 =	sld [smem:$0x3FB5];
	_ =	sdelay $0x3  }
0x33: {  	p0 =	seq.s32 s10, $0x1;
	s10 =	sld [smem:$0x3FB7];
	_ =	sdelay $0x3  }
0x34: {  	[smem:$0x3FB7] =	sst s10  }
0x35: {  	s10 =	sld [smem:$0x3FB6];
	_ =	sdelay $0x3  }
0x36: {  	p1 =	seq.s32 s10, $0x1;
	s10 =	sld [smem:$0x3FB7];
	_ =	sdelay $0x3  }
0x37: {  	[smem:$0x3FB7] =	sst s10  }
0x38: {  	s10 =	sld [smem:$0x3FB8]  }
0x39: {  	_ = 	snop;
	(pc) =	sbr.ind lr, $3  }
0x3a: {  	_ = 	snop  }
0x3b: {  	_ = 	snop  }
0x3c: {  	p2 =	seq.s32 s10, $0x1;
	s10 =	sld [smem:$0x3FB7]  }
0x3d: {  	_ =	shalt  }
0x3e: {  	_ =	shalt  }
0x3f: {  	_ =	shalt  }
0x40: {  	_ =	shalt  }
0x41: {  	_ =	shalt  }
0x42: {  	_ =	shalt  }
0x43: {  	_ =	shalt  }
0x44: {  	_ =	shalt  }
0x45: {  	_ =	shalt  }
0x46: {  	_ =	shalt  }
0x47: {  	_ =	shalt  }
0x48: {  	_ =	shalt  }
0x49: {  	_ =	shalt  }
0x4a: {  	_ =	shalt  }
0x4b: {  	_ =	shalt  }
0x4c: {  	_ =	shalt  }
0x4d: {  	_ =	shalt  }
0x4e: {  	_ =	shalt  }
0x4f: {  	_ =	shalt  }
0x50: {  	_ =	shalt  }
0x51: {  	_ =	shalt  }
0x52: {  	_ =	shalt  }
0x53: {  	_ =	shalt  }
0x54: {  	_ =	shalt  }
0x55: {  	_ =	shalt  }
0x56: {  	_ =	shalt  }
0x57: {  	_ =	shalt  }
0x58: {  	_ =	shalt  }
0x59: {  	_ =	shalt  }
0x5a: {  	_ =	shalt  }
0x5b: {  	_ =	shalt  }
0x5c: {  	_ =	shalt  }
0x5d: {  	_ =	shalt  }
0x5e: {  	_ =	shalt  }
0x5f: {  	_ =	shalt  }
0x60: {  	_ =	shalt  }
0x61: {  	_ =	shalt  }
0x62: {  	_ =	shalt  }
0x63: {  	_ =	shalt  }
0x64: {  	_ =	shalt  }
0x65: {  	_ =	shalt  }
0x66: {  	_ =	shalt  }
0x67: {  	_ =	shalt  }
0x68: {  	_ =	shalt  }
0x69: {  	_ =	shalt  }
0x6a: {  	_ =	shalt  }
0x6b: {  	_ =	shalt  }
0x6c: {  	_ =	shalt  }
0x6d: {  	_ =	shalt  }
0x6e: {  	_ =	shalt  }
0x6f: {  	_ =	shalt  }
0x70: {  	_ =	shalt  }
0x71: {  	_ =	shalt  }
0x72: {  	_ =	shalt  }
0x73: {  	_ =	shalt  }
0x74: {  	_ =	shalt  }
0x75: {  	_ =	shalt  }
0x76: {  	_ =	shalt  }
0x77: {  	_ =	shalt  }
0x78: {  	_ =	shalt  }
0x79: {  	_ =	shalt  }
0x7a: {  	_ =	shalt  }
0x7b: {  	_ =	shalt  }
0x7c: {  	_ =	shalt  }
0x7d: {  	_ =	shalt  }
0x7e: {  	_ =	shalt  }
0x7f: {  	_ =	shalt  }
0x80: {  	_ =	shalt  }
0x81: {  	_ =	shalt  }
0x82: {  	_ =	shalt  }
0x83: {  	_ =	shalt  }
0x84: {  	_ =	shalt  }
0x85: {  	_ =	shalt  }
0x86: {  	_ =	shalt  }
0x87: {  	_ =	shalt  }
.Lfunc_end0:
.L_simem_size_0:
called_computation_lowered:
.L_overlay_start_0:
0x88: {  	s2 =	sld [smem:$0x3FD9]  }
0x89: {  	s3 =	sld [smem:$0x3FFE];
	_ =	sdelay $0x1  }
0x8a: {  	s1 =	srdreg.scid  }
0x8b: {  	s0 =	sand.u32 $0x1, s1  }
0x8c: {  	s17 =	sshll.u32 s0, $0xA;
	s2 =	sadd.s32 s3, s2  }
0x8d: {  	s2 =	sadd.s32 s2, s17  }
0x8e: {  	[smem:$0x3FC3] =	sst s2  }
0x8f: {  	_ = 	snop  }
0x90: {  	s2 =	sld [smem:$0x3FC9]  }
0x91: {  	s18 =	sld [smem:$0x3FD0];
	(tm) =	ssettm $0x1  }
0x92: {  	s4 =	sld [smem:$0x3FFB];
	_ =	sdelay $0x3  }
0x93: {  	_ =	strace s4  }
0x94: {  	s4 =	sld [smem:$0x3FFC];
	_ =	sdelay $0x3  }
0x95: {  	_ =	strace s4  }
0x96: {  	s4 =	sld [smem:$0x3FFD];
	_ =	sdelay $0x3  }
0x97: {  	_ =	strace s4  }
0x98: {  	_ =	strace $0x8FFFFFFF  }
0x99: {  	s19 =	sld [smem:$0x3FDB];
	_ =	sdelay $0x1  }
0x9a: {  	s5 =	simm.s32 $_scs_section_size  }
0x9b: {  	s6 =	simm.s32 $_size__tile_overlayer_lowered;
	s7 =	simm.s32 $_tile_overlayer_lowered  }
0x9c: {  	s22 =	simm.s32 $0x1BFF;
	s21 =	sshll.u32 s7, $0x1;
	s4 =	sadd.s32 s5, s19  }
0x9d: {  	s8 =	simm.s32 $0x0;
	s20 =	sshll.u32 s6, $0x1;
	s6 =	sadd.s32 s21, s4  }
0x9e: {  	[timem:s8], [sflag:s22] =	dma.local [hbm:s6], s20  }
0x9f: {  	_ =	swait.ge [sflag:s22], s20  }
0xa0: {  	s5 =	ssub.s32 $0x0, s20;
	[sflag:s22] =	ssyncset.done $0x0  }
0xa1: {  	[sflag:s22] =	ssyncadd.s32 s5;
	_ =	sdelay $0x1  }
0xa2: {  	s23 =	simm.s32 $0x1B8B  }
0xa3: {  	_ =	swait.ge [sflag:s23], $0x1  }
0xa4: {  	[sflag:s23] =	ssyncset.done $0x0  }
0xa5: {  	s25 =	simm.s32 $0x1B8E;
	s24 =	sld [smem:$0x3FFE];
	[sflag:s23] =	ssyncadd.s32 $0xFFFFFFFF  }
0xa6: {  	s26 =	simm.s32 $execute0_lowered;
	[smem:$0x3FD2] =	sst s25  }
0xa7: {  	s6 =	sshll.u32 s26, $0x1;
	_ =	strace $0x80000046;
	[dreg:$0x1] =	wrdreg $0xFFFFFFFF  }
0xa8: {  	s28 =	simm.s32 $_size_execute0_lowered;
	s4 =	sadd.s32 s4, s6;
	[dreg:$0x0] =	wrdreg $0x0  }
0xa9: {  	s6 =	sshll.u32 s28, $0x1;
	[dreg:$0x2] =	wrdreg s4  }
0xaa: {  	[dreg:$0x3] =	wrdreg s6  }
0xab: {  	[dreg:$0x4] =	wrdreg $0xC0  }
0xac: {  	_ =	task [dreg:s8], $0x5FFFF  }
0xad: {  	[dreg:$0x1] =	wrdreg $0xFFFFFFFF  }
0xae: {  	[dreg:$0x0] =	wrdreg $0x60  }
0xaf: {  	[dreg:$0x2] =	wrdreg s2  }
0xb0: {  	[dreg:$0x3] =	wrdreg s18  }
0xb1: {  	[dreg:$0x4] =	wrdreg s24  }
0xb2: {  	[dreg:$0x5] =	wrdreg $0x0  }
0xb3: {  	[dreg:$0x6] =	wrdreg $0x138800  }
0xb4: {  	[dreg:$0x7] =	wrdreg $0x9  }
0xb5: {  	_ =	task.clear_ibuf [dreg:s8], $0x8FFFF;
	_ =	strace $0x90000046  }
0xb6: {  	s29 =	simm.s32 $0x9;
	_ =	strace $0x80000048  }
0xb7: {  	_ =	swait.ge [sflag:s29], $0x1  }
0xb8: {  	[sflag:s29] =	ssyncadd.s32 $0xFFFFFFFF  }
0xb9: {  	_ =	strace $0x90000048  }
0xba: {  	_ =	sfence  }
0xbb: {  	s30 =	sld [smem:$0x0];
	_ =	sdelay $0x2  }
0xbc: {  	s31 =	sshll.u32 s1, $0xD;
	s1 =	sshrl.u32 s1, $0x2  }
0xbd: {  	s3 =	sand.u32 $0x4000, s31;
	s1 =	sadd.s32 s1, s30  }
0xbe: {  	s0 =	sor.u32 s3, s0;
	s1 =	sshll.u32 s1, $0x11  }
0xbf: {  	s0 =	sor.u32 s1, s0  }
0xc0: {  	s0 =	sadd.s32 $0x8F2B, s0  }
0xc1: {  	[sflag:s0] =	ssyncadd.remote.s32 $0x1  }
0xc2: {  	_ =	sfence.sel $0xFFFF  }
0xc3: {  	[dreg:$0x0] =	wrdreg $0xFFFFFFFF;
	(pc) =	sbr.abs _section_cstart, $3  }
0xc4: {  	[dreg:$0x1] =	wrdreg $0xFFFFFFFF  }
0xc5: {  	_ =	task.clear_ibuf [dreg:s8], $0x2FFFF;
	_ =	strace $0x9FFFFFFF  }
0xc6: {  	(tm) =	ssettm $0x7FFFFFFF  }
0xc7: {  	_ =	shalt  }
tec
execute0_lowered:
.L_overlay_start_1:
0x0: {  	(tag) =	ssettag $0x1  }
0x1: {  	s0 =	rddreg [dreg:$0x0];
	s1 =	srdreg.scid  }
0x2: {  	s2 =	rddreg [dreg:$0x2];
	s11 =	stileid.u32  }
0x3: {  	s4 =	rddreg [dreg:$0x3];
	s6 =	smul.u32 $0x13880, s11  }
0x4: {  	s5 =	rddreg [dreg:$0x4];
	s8 =	smul.u32 $0x2710, s11  }
0x5: {  	s12 =	simm.s32 $0x0;
	s1 =	sand.u32 $0x1, s1;
	s9 =	smul.u32 $0x4E200, s11  }
0x6: {  	[smem:$0x7FF] =	sst s12;
	s3 =	smul.u32 $0x138800, s1;
	s20 =	ssub.s32 $0x2, s1  }
0x7: {  	s7 =	smul.u32 $0x27100, s1;
	_ =	strace $0x80000047;
	s10 =	sshrl.u32 s20, $0x1  }
0x8: {  	s9 =	sshrl.u32 s9, $0x2;
	s23 =	sadd.s32 s8, s5;
	s3 =	sadd.s32 s6, s3  }
0x9: {  	s7 =	sadd.s32 s8, s7;
	s18 =	sshrl.u32 s23, $0x3;
	s3 =	sshrl.u32 s3, $0x3  }
0xa: {  	s7 =	sshrl.u32 s7, $0x3;
	[dreg:$0x18] =	wrdreg s18;
	s3 =	sadd.s32 s3, s2  }
0xb: {  	s2 =	sadd.s32 s7, s2;
	s7 =	ssub.s32 s20, s10;
	s10 =	sadd.s32 s9, s4  }
0xc: {  	s9 =	sadd.s32 $0x12C00, s10;
	[dreg:$0x7] =	wrdreg s10  }
0xd: {  	s21 =	sadd.s32 $0xB600, s3;
	[dreg:$0x8] =	wrdreg s9  }
0xe: {  	s2 =	sadd.s32 $0x1800, s2;
	[dreg:$0x9] =	wrdreg s21  }
0xf: {  	s24 =	smax.u32 s7, $0x1;
	[dreg:$0xa] =	wrdreg s2  }
0x10: {  	s25 =	sadd.s32 $0x1400, s10;
	[dreg:$0xb] =	wrdreg s24  }
0x11: {  	s1 =	sshll.u32 s1, $0x4;
	s26 =	sadd.s32 $0x2800, s10;
	[dreg:$0xc] =	wrdreg s25  }
0x12: {  	s22 =	sadd.s32 s6, s4;
	s6 =	sadd.s32 $0x3C00, s10;
	[dreg:$0xd] =	wrdreg s26  }
0x13: {  	s1 =	sor.u32 s11, s1;
	s7 =	sadd.s32 $0x5000, s10;
	[dreg:$0xe] =	wrdreg s6  }
0x14: {  	s8 =	smul.u32 $0x9C40, s11;
	s11 =	sadd.s32 $0x6400, s10;
	[dreg:$0xf] =	wrdreg s7  }
0x15: {  	s28 =	simm.s32 $0x6;
	s13 =	sadd.s32 $0x7800, s10;
	[dreg:$0x10] =	wrdreg s11  }
0x16: {  	s29 =	simm.s32 $0x2;
	s14 =	sadd.s32 $0x8C00, s10;
	[dreg:$0x11] =	wrdreg s13  }
0x17: {  	s30 =	simm.s32 $0x7;
	s15 =	sadd.s32 $0xA000, s10;
	[dreg:$0x12] =	wrdreg s14  }
0x18: {  	s31 =	simm.s32 $0x3;
	s16 =	sadd.s32 $0xB400, s10;
	[dreg:$0x13] =	wrdreg s15  }
0x19: {  	s3 =	sshrl.u32 s8, $0x2;
	s17 =	sadd.s32 $0xC800, s10;
	[dreg:$0x14] =	wrdreg s16  }
0x1a: {  	s19 =	sadd.s32 $0xDC00, s10;
	s20 =	sadd.s32 $0xF000, s10;
	[dreg:$0x15] =	wrdreg s17  }
0x1b: {  	s8 =	simm.s32 $0x9;
	s9 =	smul.u32 $0xFA, s1;
	[dreg:$0x19] =	wrdreg s19  }
0x1c: {  	s3 =	sadd.s32 s3, s5;
	s1 =	sshrl.u32 s22, $0x3;
	[dreg:$0x1a] =	wrdreg s20  }
0x1d: {  	s21 =	sadd.s32 $0x10400, s10;
	s22 =	sadd.s32 $0x11800, s10;
	s10 =	simm.s32 $0x186A0  }
0x1e: {  	s11 =	simm.s32 $0x10;
	s13 =	simm.s32 $0x15F90;
	[dreg:$0x17] =	wrdreg s1  }
0x1f: {  	s15 =	simm.s32 $0x28;
	s17 =	simm.s32 $0x19AA0;
	[dreg:$0x1b] =	wrdreg s21  }
0x20: {  	s19 =	simm.s32 $0x1AEA0;
	s7 =	simm.s32 $0xA;
	[dreg:$0x1c] =	wrdreg s22  }
0x21: {  	s23 =	sadd.s32 $0x7D0, s3;
	s24 =	sadd.s32 $0xFA0, s3;
	[dreg:$0x16] =	wrdreg s3  }
.Ltmp0:
0x22: {  	s25 =	sadd.s32 $0x1770, s3;
	[dreg:$0x1d] =	wrdreg s23;
	(pc) =	sbr.rel .LBB2_1-.Ltmp0, $4  }
0x23: {  	s26 =	sadd.s32 $0x1F40, s3;
	s21 =	simm.s32 $0x1C2A0;
	[dreg:$0x1e] =	wrdreg s24  }
0x24: {  	s22 =	simm.s32 $0x16030;
	s3 =	simm.s32 $0x8;
	[dreg:$0x1f] =	wrdreg s25  }
0x25: {  	s1 =	simm.s32 $0x4;
	[smem:$0x7FD] =	sst s26;
	s24 =	simm.s32 $0x1D6A0  }
0x26: {  	v0 =	vimm.f32 $0.0e+00;
	v1 =	vimm.f32 $1.000000000e+00;
	s25 =	simm.s32 $0x1;
	s26 =	simm.s32 $0x1EAA0;
	s23 =	simm.s32 $0x5  }
.LBB2_18:
0x27: {  	s2 =	simm.s32 $0xB  }
0x28: {  	_ =	swait.ge [sflag:s2], $0x280  }
0x29: {  	[sflag:s2] =	ssyncset.done $0x0  }
0x2a: {  	s16 =	simm.s32 $0xC;
	[sflag:s2] =	ssyncadd.s32 $0xFFFFFD80  }
0x2b: {  	_ =	swait.ge [sflag:s16], $0x280  }
0x2c: {  	[sflag:s16] =	ssyncset.done $0x0  }
0x2d: {  	s18 =	simm.s32 $0xD;
	[sflag:s16] =	ssyncadd.s32 $0xFFFFFD80  }
0x2e: {  	_ =	swait.ge [sflag:s18], $0x280  }
0x2f: {  	[sflag:s18] =	ssyncset.done $0x0  }
0x30: {  	s20 =	simm.s32 $0xE;
	[sflag:s18] =	ssyncadd.s32 $0xFFFFFD80  }
0x31: {  	_ =	swait.ge [sflag:s20], $0x280  }
0x32: {  	[sflag:s20] =	ssyncset.done $0x0  }
0x33: {  	s6 =	simm.s32 $0xF;
	[sflag:s20] =	ssyncadd.s32 $0xFFFFFD80  }
0x34: {  	_ =	swait.ge [sflag:s6], $0x280  }
0x35: {  	[sflag:s6] =	ssyncset.done $0x0  }
0x36: {  	[sflag:s6] =	ssyncadd.s32 $0xFFFFFD80  }
0x37: {  	s12 =	stileid.u32;
	[bflag:$0x0] =	sbarrier.arrive $0xFFFF  }
0x38: {  	s2 =	sshll.u32 s12, $0x6;
	s6 =	rddreg [dreg:$0x9]  }
0x39: {  	s2 =	sor.u32 $0x1C10, s2;
	s12 =	rddreg [dreg:$0x17]  }
0x3a: {  	[hbm:s6], [sflag:s2] =	dma.local [spmem:s12], $0x2710  }
0x3b: {  	_ =	swait.ge [sflag:s11], $0x2710  }
0x3c: {  	[sflag:s11] =	ssyncset.done $0x0;
	s14 =	rddreg [dreg:$0xa]  }
0x3d: {  	s16 =	rddreg [dreg:$0x18];
	[sflag:s11] =	ssyncadd.s32 $0xFFFFD8F0  }
0x3e: {  	[hbm:s14], [sflag:s2] =	dma.local [spmem:s16], $0x4E2  }
0x3f: {  	_ =	swait.ge [sflag:s11], $0x4E2  }
0x40: {  	s18 =	rddreg [dreg:$0x6]  }
0x41: {  	s20 =	rddreg [dreg:$0xb];
	s12 =	sadd.s32 $0x1, s18  }
0x42: {  	p0 =	sne.s32 s12, s20  }
.Ltmp1:
0x43: {  	_ = 	snop;
	(pc) =	sbr.rel @!p0 .LBB2_19-.Ltmp1, $3  }
0x44: {  	_ =	sdelay $0x1  }
0x45: {  	[sflag:s11] =	ssyncset.done $0x0  }
0x46: {  	[sflag:s11] =	ssyncadd.s32 $0xFFFFFB1E  }
.LBB2_1:
0x47: {  	s2 =	simm.s32 $0x70;
	s6 =	simm.s32 $0x3C0  }
.LBB2_2:
0x48: {  	p0 =	sne.s32 s6, $0x4FC0;
	[tilespmem:s2+$0x186A0] =	vst v0  }
0x49: {  	[tilespmem:s2+$0x18630] =	vst v0  }
0x4a: {  	[tilespmem:s2+$0x18640] =	vst v0  }
.Ltmp2:
0x4b: {  	[tilespmem:s2+$0x18650] =	vst v0;
	(pc) =	sbr.rel @p0 .LBB2_2-.Ltmp2, $4  }
0x4c: {  	[tilespmem:s2+$0x18660] =	vst v0  }
0x4d: {  	[tilespmem:s2+$0x18670] =	vst v0  }
0x4e: {  	[tilespmem:s2+$0x18680] =	vst v0  }
0x4f: {  	[tilespmem:s2+$0x18690] =	vst v0;
	s2 =	sshra.s32 s6, $0x2;
	s6 =	sadd.s32 $0x200, s6  }
0x50: {  	[tilespmem:s2+$0x186A0] =	vst v0  }
0x51: {  	[tilespmem:s2+$0x18630] =	vst v0  }
0x52: {  	[tilespmem:s2+$0x18640] =	vst v0  }
0x53: {  	[tilespmem:s2+$0x18650] =	vst v0  }
0x54: {  	[tilespmem:s2+$0x18660] =	vst v0  }
0x55: {  	[tilespmem:s2+$0x18670] =	vst v0  }
0x56: {  	[tilespmem:s2+$0x18680] =	vst v0  }
0x57: {  	[tilespmem:s2+$0x18690] =	vst v0;
	s2 =	simm.s32 $0x0;
	s6 =	simm.s32 $0x200  }
.LBB2_4:
0x58: {  	p0 =	sne.s32 s6, $0x4E00;
	[tilespmem:s2+$0x19B10] =	vst v0  }
0x59: {  	[tilespmem:s2+$0x19AA0] =	vst v0  }
0x5a: {  	[tilespmem:s2+$0x19AB0] =	vst v0  }
.Ltmp3:
0x5b: {  	[tilespmem:s2+$0x19AC0] =	vst v0;
	(pc) =	sbr.rel @p0 .LBB2_4-.Ltmp3, $4  }
0x5c: {  	[tilespmem:s2+$0x19AD0] =	vst v0  }
0x5d: {  	[tilespmem:s2+$0x19AE0] =	vst v0  }
0x5e: {  	[tilespmem:s2+$0x19AF0] =	vst v0  }
0x5f: {  	[tilespmem:s2+$0x19B00] =	vst v0;
	s2 =	sshra.s32 s6, $0x2;
	s6 =	sadd.s32 $0x200, s6  }
0x60: {  	[tilespmem:s2+$0x19B10] =	vst v0  }
0x61: {  	[tilespmem:s2+$0x19AA0] =	vst v0  }
0x62: {  	[tilespmem:s2+$0x19AB0] =	vst v0  }
0x63: {  	[tilespmem:s2+$0x19AC0] =	vst v0  }
0x64: {  	[tilespmem:s2+$0x19AD0] =	vst v0  }
0x65: {  	[tilespmem:s2+$0x19AE0] =	vst v0  }
0x66: {  	[tilespmem:s2+$0x19AF0] =	vst v0  }
0x67: {  	[tilespmem:s2+$0x19B00] =	vst v0;
	s2 =	simm.s32 $0x0;
	s6 =	simm.s32 $0x200  }
.LBB2_6:
0x68: {  	p0 =	sne.s32 s6, $0x4E00;
	[tilespmem:s2+$0x1AF10] =	vst v0  }
0x69: {  	[tilespmem:s2+$0x1AEA0] =	vst v0  }
0x6a: {  	[tilespmem:s2+$0x1AEB0] =	vst v0  }
.Ltmp4:
0x6b: {  	[tilespmem:s2+$0x1AEC0] =	vst v0;
	(pc) =	sbr.rel @p0 .LBB2_6-.Ltmp4, $4  }
0x6c: {  	[tilespmem:s2+$0x1AED0] =	vst v0  }
0x6d: {  	[tilespmem:s2+$0x1AEE0] =	vst v0  }
0x6e: {  	[tilespmem:s2+$0x1AEF0] =	vst v0  }
0x6f: {  	[tilespmem:s2+$0x1AF00] =	vst v0;
	s2 =	sshra.s32 s6, $0x2;
	s6 =	sadd.s32 $0x200, s6  }
0x70: {  	[tilespmem:s2+$0x1AF10] =	vst v0  }
0x71: {  	[tilespmem:s2+$0x1AEA0] =	vst v0  }
0x72: {  	[tilespmem:s2+$0x1AEB0] =	vst v0  }
0x73: {  	[tilespmem:s2+$0x1AEC0] =	vst v0  }
0x74: {  	[tilespmem:s2+$0x1AED0] =	vst v0  }
0x75: {  	[tilespmem:s2+$0x1AEE0] =	vst v0  }
0x76: {  	[tilespmem:s2+$0x1AEF0] =	vst v0  }
0x77: {  	[tilespmem:s2+$0x1AF00] =	vst v0;
	s2 =	simm.s32 $0x0;
	s6 =	simm.s32 $0x200  }
.LBB2_8:
0x78: {  	p0 =	sne.s32 s6, $0x4E00;
	[tilespmem:s2+$0x1C310] =	vst v0  }
0x79: {  	[tilespmem:s2+$0x1C2A0] =	vst v0  }
0x7a: {  	[tilespmem:s2+$0x1C2B0] =	vst v0  }
.Ltmp5:
0x7b: {  	[tilespmem:s2+$0x1C2C0] =	vst v0;
	(pc) =	sbr.rel @p0 .LBB2_8-.Ltmp5, $4  }
0x7c: {  	[tilespmem:s2+$0x1C2D0] =	vst v0  }
0x7d: {  	[tilespmem:s2+$0x1C2E0] =	vst v0  }
0x7e: {  	[tilespmem:s2+$0x1C2F0] =	vst v0  }
0x7f: {  	[tilespmem:s2+$0x1C300] =	vst v0;
	s2 =	sshra.s32 s6, $0x2;
	s6 =	sadd.s32 $0x200, s6  }
0x80: {  	[tilespmem:s2+$0x1C310] =	vst v0  }
0x81: {  	[tilespmem:s2+$0x1C2A0] =	vst v0  }
0x82: {  	[tilespmem:s2+$0x1C2B0] =	vst v0  }
0x83: {  	[tilespmem:s2+$0x1C2C0] =	vst v0  }
0x84: {  	[tilespmem:s2+$0x1C2D0] =	vst v0  }
0x85: {  	[tilespmem:s2+$0x1C2E0] =	vst v0  }
0x86: {  	[tilespmem:s2+$0x1C2F0] =	vst v0  }
0x87: {  	[tilespmem:s2+$0x1C300] =	vst v0;
	s2 =	simm.s32 $0x0;
	s6 =	simm.s32 $0x200  }
.LBB2_10:
0x88: {  	p0 =	sne.s32 s6, $0x4E00;
	[tilespmem:s2+$0x1D710] =	vst v0  }
0x89: {  	[tilespmem:s2+$0x1D6A0] =	vst v0  }
0x8a: {  	[tilespmem:s2+$0x1D6B0] =	vst v0  }
.Ltmp6:
0x8b: {  	[tilespmem:s2+$0x1D6C0] =	vst v0;
	(pc) =	sbr.rel @p0 .LBB2_10-.Ltmp6, $4  }
0x8c: {  	[tilespmem:s2+$0x1D6D0] =	vst v0  }
0x8d: {  	[tilespmem:s2+$0x1D6E0] =	vst v0  }
0x8e: {  	[tilespmem:s2+$0x1D6F0] =	vst v0  }
0x8f: {  	[tilespmem:s2+$0x1D700] =	vst v0;
	s2 =	sshra.s32 s6, $0x2;
	s6 =	sadd.s32 $0x200, s6  }
0x90: {  	[tilespmem:s2+$0x1D710] =	vst v0  }
0x91: {  	[tilespmem:s2+$0x1D6A0] =	vst v0  }
0x92: {  	[tilespmem:s2+$0x1D6B0] =	vst v0  }
0x93: {  	[tilespmem:s2+$0x1D6C0] =	vst v0  }
0x94: {  	[tilespmem:s2+$0x1D6D0] =	vst v0  }
0x95: {  	[tilespmem:s2+$0x1D6E0] =	vst v0  }
0x96: {  	[tilespmem:s2+$0x1D6F0] =	vst v0  }
0x97: {  	[dreg:$0x6] =	wrdreg s12;
	[tilespmem:s2+$0x1D700] =	vst v0;
	s2 =	simm.s32 $0x40;
	s6 =	simm.s32 $0x0  }
.LBB2_12:
0x98: {  	p0 =	sne.s32 s2, $0x1F00;
	[tilespmem:s6+$0x1ED20] =	vst v0;
	s6 =	smov.u32 s2;
	s2 =	sadd.s32 $0x40, s2  }
.Ltmp7:
0x99: {  	(pc) =	sbr.rel @p0 .LBB2_12-.Ltmp7, $2  }
0x9a: {  	_ =	sdelay $0x2  }
0x9b: {  	s6 =	sshra.s32 s6, $0x2  }
0x9c: {  	[tilespmem:s6+$0x1ED20] =	vst v0  }
0x9d: {  	[tilespmem:$0x1EAA0] =	vst v1  }
0x9e: {  	[tilespmem:$0x1EAB0] =	vst v1  }
0x9f: {  	[tilespmem:$0x1EAC0] =	vst v1  }
0xa0: {  	[tilespmem:$0x1EAD0] =	vst v1  }
0xa1: {  	[tilespmem:$0x1EAE0] =	vst v1  }
0xa2: {  	[tilespmem:$0x1EAF0] =	vst v1  }
0xa3: {  	[tilespmem:$0x1EB00] =	vst v1  }
0xa4: {  	[tilespmem:$0x1EB10] =	vst v1  }
0xa5: {  	[tilespmem:$0x1EB20] =	vst v1  }
0xa6: {  	[tilespmem:$0x1EB30] =	vst v1  }
0xa7: {  	[tilespmem:$0x1EB40] =	vst v1  }
0xa8: {  	[tilespmem:$0x1EB50] =	vst v1  }
0xa9: {  	[tilespmem:$0x1EB60] =	vst v1  }
0xaa: {  	[tilespmem:$0x1EB70] =	vst v1  }
0xab: {  	[tilespmem:$0x1EB80] =	vst v1  }
0xac: {  	[tilespmem:$0x1EB90] =	vst v1  }
0xad: {  	[tilespmem:$0x1EBA0] =	vst v1  }
0xae: {  	[tilespmem:$0x1EBB0] =	vst v1  }
0xaf: {  	[tilespmem:$0x1EBC0] =	vst v1  }
0xb0: {  	[tilespmem:$0x1EBD0] =	vst v1  }
0xb1: {  	[tilespmem:$0x1EBE0] =	vst v1  }
0xb2: {  	[tilespmem:$0x1EBF0] =	vst v1  }
0xb3: {  	[tilespmem:$0x1EC00] =	vst v1  }
0xb4: {  	[tilespmem:$0x1EC10] =	vst v1  }
0xb5: {  	[tilespmem:$0x1EC20] =	vst v1  }
0xb6: {  	[tilespmem:$0x1EC30] =	vst v1  }
0xb7: {  	[tilespmem:$0x1EC40] =	vst v1  }
0xb8: {  	[tilespmem:$0x1EC50] =	vst v1  }
0xb9: {  	[tilespmem:$0x1EC60] =	vst v1  }
0xba: {  	[tilespmem:$0x1EC70] =	vst v1  }
0xbb: {  	[tilespmem:$0x1EC80] =	vst v1  }
0xbc: {  	[tilespmem:$0x1EC90] =	vst v1  }
0xbd: {  	[tilespmem:$0x1ECA0] =	vst v1  }
0xbe: {  	[tilespmem:$0x1ECB0] =	vst v1  }
0xbf: {  	[tilespmem:$0x1ECC0] =	vst v1  }
0xc0: {  	[tilespmem:$0x1ECD0] =	vst v1  }
0xc1: {  	[tilespmem:$0x1ECE0] =	vst v1  }
0xc2: {  	[tilespmem:$0x1ECF0] =	vst v1  }
0xc3: {  	[tilespmem:$0x1ED00] =	vst v1  }
0xc4: {  	s2 =	rddreg [dreg:$0x7];
	[tilespmem:$0x1ED10] =	vst v1  }
0xc5: {  	[spmem:s2] =	stream.linear.scatter [tilespmem:s10], [sflag:$0x10], $0x1400, $0x38;
	[tilespmem:$0x1F4F0] =	vst v63  }
0xc6: {  	_ =	swait.ge [sflag:s11], $0x1400  }
0xc7: {  	[sflag:s11] =	ssyncset.done $0x0  }
0xc8: {  	s16 =	rddreg [dreg:$0xc];
	[sflag:s11] =	ssyncadd.s32 $0xFFFFEC00  }
0xc9: {  	[spmem:s16] =	stream.linear.scatter [tilespmem:s10], [sflag:$0x10], $0x1400, $0x38;
	[tilespmem:$0x1F4F0] =	vst v63  }
0xca: {  	_ =	swait.ge [sflag:s11], $0x1400  }
0xcb: {  	[sflag:s11] =	ssyncset.done $0x0  }
0xcc: {  	s18 =	rddreg [dreg:$0xd];
	[sflag:s11] =	ssyncadd.s32 $0xFFFFEC00  }
0xcd: {  	[spmem:s18] =	stream.linear.scatter [tilespmem:s10], [sflag:$0x10], $0x1400, $0x38;
	[tilespmem:$0x1F4F0] =	vst v63  }
0xce: {  	_ =	swait.ge [sflag:s11], $0x1400  }
0xcf: {  	[sflag:s11] =	ssyncset.done $0x0  }
0xd0: {  	s20 =	rddreg [dreg:$0xe];
	[sflag:s11] =	ssyncadd.s32 $0xFFFFEC00  }
0xd1: {  	[spmem:s20] =	stream.linear.scatter [tilespmem:s10], [sflag:$0x10], $0x1400, $0x38;
	[tilespmem:$0x1F4F0] =	vst v63  }
0xd2: {  	_ =	swait.ge [sflag:s11], $0x1400  }
0xd3: {  	[sflag:s11] =	ssyncset.done $0x0  }
0xd4: {  	s6 =	rddreg [dreg:$0xf];
	[sflag:s11] =	ssyncadd.s32 $0xFFFFEC00  }
0xd5: {  	[spmem:s6] =	stream.linear.scatter [tilespmem:s10], [sflag:$0x10], $0x1400, $0x38;
	[tilespmem:$0x1F4F0] =	vst v63  }
0xd6: {  	_ =	swait.ge [sflag:s11], $0x1400  }
0xd7: {  	[sflag:s11] =	ssyncset.done $0x0  }
0xd8: {  	s12 =	rddreg [dreg:$0x10];
	[sflag:s11] =	ssyncadd.s32 $0xFFFFEC00  }
0xd9: {  	[spmem:s12] =	stream.linear.scatter [tilespmem:s10], [sflag:$0x10], $0x1400, $0x38;
	[tilespmem:$0x1F4F0] =	vst v63  }
0xda: {  	_ =	swait.ge [sflag:s11], $0x1400  }
0xdb: {  	[sflag:s11] =	ssyncset.done $0x0  }
0xdc: {  	s14 =	rddreg [dreg:$0x11];
	[sflag:s11] =	ssyncadd.s32 $0xFFFFEC00  }
0xdd: {  	[spmem:s14] =	stream.linear.scatter [tilespmem:s10], [sflag:$0x10], $0x1400, $0x38;
	[tilespmem:$0x1F4F0] =	vst v63  }
0xde: {  	_ =	swait.ge [sflag:s11], $0x1400  }
0xdf: {  	[sflag:s11] =	ssyncset.done $0x0  }
0xe0: {  	s16 =	rddreg [dreg:$0x12];
	[sflag:s11] =	ssyncadd.s32 $0xFFFFEC00  }
0xe1: {  	[spmem:s16] =	stream.linear.scatter [tilespmem:s10], [sflag:$0x10], $0x1400, $0x38;
	[tilespmem:$0x1F4F0] =	vst v63  }
0xe2: {  	_ =	swait.ge [sflag:s11], $0x1400  }
0xe3: {  	[sflag:s11] =	ssyncset.done $0x0  }
0xe4: {  	s18 =	rddreg [dreg:$0x13];
	[sflag:s11] =	ssyncadd.s32 $0xFFFFEC00  }
0xe5: {  	[spmem:s18] =	stream.linear.scatter [tilespmem:s10], [sflag:$0x10], $0x1400, $0x38;
	[tilespmem:$0x1F4F0] =	vst v63  }
0xe6: {  	_ =	swait.ge [sflag:s11], $0x1400  }
0xe7: {  	[sflag:s11] =	ssyncset.done $0x0  }
0xe8: {  	s20 =	rddreg [dreg:$0x14];
	[sflag:s11] =	ssyncadd.s32 $0xFFFFEC00  }
0xe9: {  	[spmem:s20] =	stream.linear.scatter [tilespmem:s10], [sflag:$0x10], $0x1400, $0x38;
	[tilespmem:$0x1F4F0] =	vst v63  }
0xea: {  	_ =	swait.ge [sflag:s11], $0x1400  }
0xeb: {  	[sflag:s11] =	ssyncset.done $0x0  }
0xec: {  	s6 =	rddreg [dreg:$0x15];
	[sflag:s11] =	ssyncadd.s32 $0xFFFFEC00  }
0xed: {  	[spmem:s6] =	stream.linear.scatter [tilespmem:s10], [sflag:$0x10], $0x1400, $0x38;
	[tilespmem:$0x1F4F0] =	vst v63  }
0xee: {  	_ =	swait.ge [sflag:s11], $0x1400  }
0xef: {  	[sflag:s11] =	ssyncset.done $0x0  }
0xf0: {  	s12 =	rddreg [dreg:$0x19];
	[sflag:s11] =	ssyncadd.s32 $0xFFFFEC00  }
0xf1: {  	[spmem:s12] =	stream.linear.scatter [tilespmem:s10], [sflag:$0x10], $0x1400, $0x38;
	[tilespmem:$0x1F4F0] =	vst v63  }
0xf2: {  	_ =	swait.ge [sflag:s11], $0x1400  }
0xf3: {  	[sflag:s11] =	ssyncset.done $0x0  }
0xf4: {  	s14 =	rddreg [dreg:$0x1a];
	[sflag:s11] =	ssyncadd.s32 $0xFFFFEC00  }
0xf5: {  	[spmem:s14] =	stream.linear.scatter [tilespmem:s10], [sflag:$0x10], $0x1400, $0x38;
	[tilespmem:$0x1F4F0] =	vst v63  }
0xf6: {  	_ =	swait.ge [sflag:s11], $0x1400  }
0xf7: {  	[sflag:s11] =	ssyncset.done $0x0  }
0xf8: {  	s16 =	rddreg [dreg:$0x1b];
	[sflag:s11] =	ssyncadd.s32 $0xFFFFEC00  }
0xf9: {  	[spmem:s16] =	stream.linear.scatter [tilespmem:s10], [sflag:$0x10], $0x1400, $0x38;
	[tilespmem:$0x1F4F0] =	vst v63  }
0xfa: {  	_ =	swait.ge [sflag:s11], $0x1400  }
0xfb: {  	[sflag:s11] =	ssyncset.done $0x0  }
0xfc: {  	s18 =	rddreg [dreg:$0x1c];
	[sflag:s11] =	ssyncadd.s32 $0xFFFFEC00  }
0xfd: {  	[spmem:s18] =	stream.linear.scatter [tilespmem:s10], [sflag:$0x10], $0x1400, $0x38;
	[tilespmem:$0x1F4F0] =	vst v63  }
0xfe: {  	_ =	swait.ge [sflag:s11], $0x1400  }
0xff: {  	[sflag:s11] =	ssyncset.done $0x0  }
0x100: {  	s20 =	rddreg [dreg:$0x8];
	[sflag:s11] =	ssyncadd.s32 $0xFFFFEC00  }
0x101: {  	[spmem:s20] =	stream.linear.scatter [tilespmem:s10], [sflag:$0x10], $0xC80, $0x38;
	[tilespmem:$0x1F4F0] =	vst v63  }
0x102: {  	_ =	swait.ge [sflag:s11], $0xC80  }
0x103: {  	[sflag:s11] =	ssyncset.done $0x0  }
0x104: {  	s12 =	simm.s32 $0x1ED20;
	s6 =	rddreg [dreg:$0x16];
	[sflag:s11] =	ssyncadd.s32 $0xFFFFF380  }
0x105: {  	[spmem:s6] =	stream.linear.scatter [tilespmem:s12], [sflag:$0x10], $0x7D0, $0x38;
	[tilespmem:$0x1F4F0] =	vst v63  }
0x106: {  	_ =	swait.ge [sflag:s11], $0x7D0  }
0x107: {  	[sflag:s11] =	ssyncset.done $0x0  }
0x108: {  	s14 =	rddreg [dreg:$0x1d];
	[sflag:s11] =	ssyncadd.s32 $0xFFFFF830  }
0x109: {  	[spmem:s14] =	stream.linear.scatter [tilespmem:s12], [sflag:$0x10], $0x7D0, $0x38;
	[tilespmem:$0x1F4F0] =	vst v63  }
0x10a: {  	_ =	swait.ge [sflag:s11], $0x7D0  }
0x10b: {  	[sflag:s11] =	ssyncset.done $0x0  }
0x10c: {  	s16 =	rddreg [dreg:$0x1e];
	[sflag:s11] =	ssyncadd.s32 $0xFFFFF830  }
0x10d: {  	[spmem:s16] =	stream.linear.scatter [tilespmem:s12], [sflag:$0x10], $0x7D0, $0x38;
	[tilespmem:$0x1F4F0] =	vst v63  }
0x10e: {  	_ =	swait.ge [sflag:s11], $0x7D0  }
0x10f: {  	[sflag:s11] =	ssyncset.done $0x0  }
0x110: {  	s18 =	rddreg [dreg:$0x1f];
	[sflag:s11] =	ssyncadd.s32 $0xFFFFF830  }
0x111: {  	[spmem:s18] =	stream.linear.scatter [tilespmem:s12], [sflag:$0x10], $0x7D0, $0x38;
	[tilespmem:$0x1F4F0] =	vst v63  }
0x112: {  	_ =	swait.ge [sflag:s11], $0x7D0  }
0x113: {  	s20 =	sld [smem:$0x7FD]  }
0x114: {  	[sflag:s11] =	ssyncset.done $0x0  }
0x115: {  	[sflag:s11] =	ssyncadd.s32 $0xFFFFF830  }
0x116: {  	[spmem:s20] =	stream.linear.scatter [tilespmem:s12], [sflag:$0x10], $0x7D0, $0x38;
	[tilespmem:$0x1F4F0] =	vst v63  }
.Ltmp8:
0x117: {  	_ =	swait.ge [sflag:s11], $0x7D0;
	(pc) =	sbr.rel .LBB2_14-.Ltmp8, $4  }
0x118: {  	[sflag:s11] =	ssyncset.done $0x0  }
0x119: {  	[sflag:s11] =	ssyncadd.s32 $0xFFFFF830  }
0x11a: {  	p2 =	por $0x1, $0x1;
	[bflag:$0x0] =	sbarrier.arrive $0xFFFF  }
0x11b: {  	p0 =	por $0x0, $0x0;
	s2 =	simm.s32 $0x0;
	s12 =	simm.s32 $0x0  }
.LBB2_17:
.Ltmp9:
0x11c: {  	(pc) =	sbr.rel @!p1 .LBB2_18-.Ltmp9, $2  }
0x11d: {  	_ =	sdelay $0x2  }
0x11e: {  	s2 =	simm.s32 $0x7D;
	p2 =	por $0x0, $0x0;
	p0 =	por $0x1, $0x1  }
.LBB2_14:
0x11f: {  	s2 =	sadd.s32 s9, s2  }
0x120: {  	s2 =	smul.u32 $0x28, s2;
	_ =	sdelay $0x1  }
0x121: {  	s6 =	rddreg [dreg:$0x1];
	s2 =	sshrl.u32 s2, $0x3  }
0x122: {  	s2 =	sadd.s32 s6, s2  }
0x123: {  	[tilespmem:s13], [sflag:$0x10] =	stream.linear.gather [hbm4b:s2+s12], $0x1388, $0x38;
	[tilespmem:$0x1F4F0] =	vst v63  }
0x124: {  	_ =	swait.ge [sflag:s11], $0x1388  }
0x125: {  	[sflag:s11] =	ssyncset.done $0x0  }
0x126: {  	s14 =	simm.s32 $0x17318;
	s2 =	sadd.s32 $0x9C40, s2;
	[sflag:s11] =	ssyncadd.s32 $0xFFFFEC78  }
0x127: {  	[tilespmem:s14], [sflag:$0x10] =	stream.linear.gather [hbm4b:s2+s12], $0x1388, $0x38;
	[tilespmem:$0x1F4F0] =	vst v63  }
0x128: {  	_ =	swait.ge [sflag:s11], $0x1388  }
0x129: {  	[sflag:s11] =	ssyncset.done $0x0  }
0x12a: {  	[sflag:s11] =	ssyncadd.s32 $0xFFFFEC78  }
0x12b: {  	[tilespmem:s10], [sflag:$0x1] =	stream.indirect.gather [hbm4b:s0+s15], $0x80, s13, s15, $0xb8;
	[tilespmem:$0x1F4F0] =	vst v63  }
0x12c: {  	s16 =	simm.s32 $0x15FB8  }
0x12d: {  	[tilespmem:s17], [sflag:$0x2] =	stream.indirect.gather [hbm4b:s0+s15], $0x80, s16, s15, $0xb8;
	[tilespmem:$0x1F4F0] =	vst v63  }
0x12e: {  	s18 =	simm.s32 $0x15FE0  }
0x12f: {  	[tilespmem:s19], [sflag:$0x3] =	stream.indirect.gather [hbm4b:s0+s15], $0x80, s18, s15, $0xb8;
	[tilespmem:$0x1F4F0] =	vst v63  }
0x130: {  	s20 =	simm.s32 $0x16008  }
0x131: {  	[tilespmem:s21], [sflag:$0x4] =	stream.indirect.gather [hbm4b:s0+s15], $0x80, s20, s15, $0xb8;
	[tilespmem:$0x1F4F0] =	vst v63  }
0x132: {  	p1 =	por p2, p2;
	s6 =	simm.s32 $0x0  }
0x133: {  	[tilespmem:s24], [sflag:$0x5] =	stream.indirect.gather [hbm4b:s0+s15], $0x80, s22, s15, $0xb8;
	[tilespmem:$0x1F4F0] =	vst v63  }
.LBB2_15:
0x134: {  	_ =	swait.ge [sflag:s25], $0x1400;
	p2 =	sne.s32 s6, $0x0  }
0x135: {  	s2 =	sshra.s32 s6, $0x2;
	[sflag:s25] =	ssyncset.done $0x0;
	p2 =	por p0, p2  }
0x136: {  	s14 =	sadd.s32 $0x17318, s2;
	[sflag:s25] =	ssyncadd.s32 $0xFFFFEC00;
	s16 =	simm.s32 @p2 $0xB  }
0x137: {  	[spmem:s4] =	stream.indirect.scatter.add.f32 [tilespmem:s10], [sflag:$0x6], $0x80, s14, s15, $0xb8;
	[tilespmem:$0x1F4F0] =	vst v63  }
0x138: {  	_ =	swait.ge @p2 [sflag:s16], $0x280  }
0x139: {  	[sflag:s16] =	ssyncset.done @p2 $0x0  }
0x13a: {  	[sflag:s16] =	ssyncadd.s32 @p2 $0xFFFFFD80  }
0x13b: {  	[spmem:s5] =	stream.indirect.scatter.add.f32 [tilespmem:s26], [sflag:$0xB], $0x10, s14, s15, $0xb8;
	[tilespmem:$0x1F4F0] =	vst v63  }
0x13c: {  	p3 =	seq.s32 s6, $0x4B00;
	_ =	swait.ge [sflag:s28], $0x1400  }
0x13d: {  	s18 =	simm.s32 @!p3 $0x28;
	s14 =	sshra.s32 @!p3 s6, $0x2;
	[sflag:s28] =	ssyncset.done $0x0  }
0x13e: {  	s20 =	simm.s32 @!p3 $0x186A0;
	s16 =	sadd.s32 @!p3 $0x16058, s14;
	[sflag:s28] =	ssyncadd.s32 $0xFFFFEC00  }
0x13f: {  	[tilespmem:s20], [sflag:$0x1] =	stream.indirect.gather @!p3 [hbm4b:s0+s18], $0x80, s16, s18, $0xb8;
	[tilespmem:$0x1F4F0] =	vst v63  }
0x140: {  	_ =	swait.ge [sflag:s29], $0x1400  }
0x141: {  	[sflag:s29] =	ssyncset.done $0x0  }
0x142: {  	s16 =	sadd.s32 $0x17340, s2;
	s20 =	simm.s32 @p2 $0xC;
	[sflag:s29] =	ssyncadd.s32 $0xFFFFEC00  }
0x143: {  	[spmem:s4] =	stream.indirect.scatter.add.f32 [tilespmem:s17], [sflag:$0x7], $0x80, s16, s15, $0xb8;
	[tilespmem:$0x1F4F0] =	vst v63  }
0x144: {  	_ =	swait.ge @p2 [sflag:s20], $0x280  }
0x145: {  	[sflag:s20] =	ssyncset.done @p2 $0x0  }
0x146: {  	[sflag:s20] =	ssyncadd.s32 @p2 $0xFFFFFD80  }
0x147: {  	[spmem:s5] =	stream.indirect.scatter.add.f32 [tilespmem:s26], [sflag:$0xC], $0x10, s16, s15, $0xb8;
	[tilespmem:$0x1F4F0] =	vst v63  }
0x148: {  	_ =	swait.ge [sflag:s30], $0x1400  }
0x149: {  	[sflag:s30] =	ssyncset.done $0x0  }
0x14a: {  	s20 =	simm.s32 @!p3 $0x19AA0;
	s16 =	sadd.s32 @!p3 $0x16080, s14;
	[sflag:s30] =	ssyncadd.s32 $0xFFFFEC00  }
0x14b: {  	[tilespmem:s20], [sflag:$0x2] =	stream.indirect.gather @!p3 [hbm4b:s0+s18], $0x80, s16, s18, $0xb8;
	[tilespmem:$0x1F4F0] =	vst v63  }
0x14c: {  	_ =	swait.ge [sflag:s31], $0x1400  }
0x14d: {  	[sflag:s31] =	ssyncset.done $0x0  }
0x14e: {  	s16 =	sadd.s32 $0x17368, s2;
	s20 =	simm.s32 @p2 $0xD;
	[sflag:s31] =	ssyncadd.s32 $0xFFFFEC00  }
0x14f: {  	[spmem:s4] =	stream.indirect.scatter.add.f32 [tilespmem:s19], [sflag:$0x8], $0x80, s16, s15, $0xb8;
	[tilespmem:$0x1F4F0] =	vst v63  }
0x150: {  	_ =	swait.ge @p2 [sflag:s20], $0x280  }
0x151: {  	[sflag:s20] =	ssyncset.done @p2 $0x0  }
0x152: {  	[sflag:s20] =	ssyncadd.s32 @p2 $0xFFFFFD80  }
0x153: {  	[spmem:s5] =	stream.indirect.scatter.add.f32 [tilespmem:s26], [sflag:$0xD], $0x10, s16, s15, $0xb8;
	[tilespmem:$0x1F4F0] =	vst v63  }
0x154: {  	_ =	swait.ge [sflag:s3], $0x1400  }
0x155: {  	[sflag:s3] =	ssyncset.done $0x0  }
0x156: {  	s20 =	simm.s32 @!p3 $0x1AEA0;
	s16 =	sadd.s32 @!p3 $0x160A8, s14;
	[sflag:s3] =	ssyncadd.s32 $0xFFFFEC00  }
0x157: {  	[tilespmem:s20], [sflag:$0x3] =	stream.indirect.gather @!p3 [hbm4b:s0+s18], $0x80, s16, s18, $0xb8;
	[tilespmem:$0x1F4F0] =	vst v63  }
0x158: {  	_ =	swait.ge [sflag:s1], $0x1400  }
0x159: {  	[sflag:s1] =	ssyncset.done $0x0  }
0x15a: {  	s16 =	sadd.s32 $0x17390, s2;
	s20 =	simm.s32 @p2 $0xE;
	[sflag:s1] =	ssyncadd.s32 $0xFFFFEC00  }
0x15b: {  	[spmem:s4] =	stream.indirect.scatter.add.f32 [tilespmem:s21], [sflag:$0x9], $0x80, s16, s15, $0xb8;
	[tilespmem:$0x1F4F0] =	vst v63  }
0x15c: {  	_ =	swait.ge @p2 [sflag:s20], $0x280  }
0x15d: {  	[sflag:s20] =	ssyncset.done @p2 $0x0  }
0x15e: {  	[sflag:s20] =	ssyncadd.s32 @p2 $0xFFFFFD80  }
0x15f: {  	[spmem:s5] =	stream.indirect.scatter.add.f32 [tilespmem:s26], [sflag:$0xE], $0x10, s16, s15, $0xb8;
	[tilespmem:$0x1F4F0] =	vst v63  }
0x160: {  	_ =	swait.ge [sflag:s8], $0x1400  }
0x161: {  	[sflag:s8] =	ssyncset.done $0x0  }
0x162: {  	s14 =	sadd.s32 @!p3 $0x160D0, s14;
	s16 =	simm.s32 @!p3 $0x1C2A0;
	[sflag:s8] =	ssyncadd.s32 $0xFFFFEC00  }
0x163: {  	[tilespmem:s16], [sflag:$0x4] =	stream.indirect.gather @!p3 [hbm4b:s0+s18], $0x80, s14, s18, $0xb8;
	[tilespmem:$0x1F4F0] =	vst v63  }
0x164: {  	_ =	swait.ge [sflag:s23], $0x1400  }
0x165: {  	[sflag:s23] =	ssyncset.done $0x0  }
0x166: {  	s20 =	sadd.s32 $0x173B8, s2;
	s16 =	simm.s32 @p2 $0xF;
	[sflag:s23] =	ssyncadd.s32 $0xFFFFEC00  }
0x167: {  	[spmem:s4] =	stream.indirect.scatter.add.f32 [tilespmem:s24], [sflag:$0xA], $0x80, s20, s15, $0xb8;
	[tilespmem:$0x1F4F0] =	vst v63  }
0x168: {  	_ =	swait.ge @p2 [sflag:s16], $0x280  }
0x169: {  	[sflag:s16] =	ssyncset.done @p2 $0x0  }
.Ltmp10:
0x16a: {  	[sflag:s16] =	ssyncadd.s32 @p2 $0xFFFFFD80;
	(pc) =	sbr.rel @p3 .LBB2_17-.Ltmp10, $4  }
0x16b: {  	[spmem:s5] =	stream.indirect.scatter.add.f32 [tilespmem:s26], [sflag:$0xF], $0x10, s20, s15, $0xb8;
	[tilespmem:$0x1F4F0] =	vst v63  }
0x16c: {  	_ =	swait.ge [sflag:s7], $0x1400  }
0x16d: {  	[sflag:s7] =	ssyncset.done $0x0  }
0x16e: {  	[sflag:s7] =	ssyncadd.s32 $0xFFFFEC00  }
.Ltmp11:
0x16f: {  	(pc) =	sbr.rel .LBB2_15-.Ltmp11, $3  }
0x170: {  	_ =	sdelay $0x1  }
0x171: {  	s2 =	sadd.s32 $0x160F8, s2;
	s6 =	sadd.s32 $0x320, s6  }
0x172: {  	[tilespmem:s24], [sflag:$0x5] =	stream.indirect.gather [hbm4b:s0+s15], $0x80, s2, s15, $0xb8;
	[tilespmem:$0x1F4F0] =	vst v63  }
.LBB2_19:
0x173: {  	_ =	sfence.sel $0x180000  }
0x174: {  	[bflag:$0x0] =	sbarrier.arrive $0xFFFF  }
0x175: {  	_ =	strace $0x90000047  }
0x176: {  	s0 =	stileid.u32;
	[bflag:$0x2] =	sbarrier.arrive $0xFFFF  }
0x177: {  	p0 =	sne.s32 s0, $0x0;
	s0 =	rddreg [dreg:$0x5]  }
0x178: {  	s0 =	sadd.s32 @!p0 $0x100000, s0  }
0x179: {  	[sflag:s0] =	ssyncadd.tile.s32 @!p0 $0x1;
	_ =	shalt  }
.Lfunc_end2:
_tile_overlayer_lowered:
.L_overlay_start_2:
0x17a: {  	(tag) =	ssettag $0x2  }
0x17b: {  	s0 =	rddreg [dreg:$0x0];
	s2 =	stileid.u32  }
0x17c: {  	s1 =	rddreg [dreg:$0x1];
	p0 =	sne.s32 s2, $0x0  }
0x17d: {  	s3 =	rddreg [dreg:$0x2];
	[bflag:$0x3] =	sbarrier.arrive $0xFFFF;
	s2 =	simm.s32 @!p0 $0x1C10  }
0x17e: {  	[timem:s3], [sflag:s2] =	dma.local @!p0 [hbm:s0], s1  }
0x17f: {  	s0 =	simm.s32 @!p0 $0x10  }
0x180: {  	_ =	swait.ge @!p0 [sflag:s0], s1  }
0x181: {  	s1 =	ssub.s32 @!p0 $0x0, s1;
	[sflag:s0] =	ssyncset.done @!p0 $0x0  }
0x182: {  	[sflag:s0] =	ssyncadd.s32 @!p0 s1  }
0x183: {  	[bflag:$0x3] =	sbarrier.arrive $0xFFFF  }
0x184: {  	_ =	shalt  }

</sc_bundles>
